<compile_context>
chip_gen: v7x
topology: tpu7x:2x2x1
jax: 0.10.2.dev20260603
libtpu: 0.0.44.dev20260713+nightly
codegen_flags: <defaults>
</compile_context>

<pallas_src>
import functools
import jax
import jax.numpy as jnp
from jax import lax
from jax.experimental import pallas as pl
from jax.experimental.pallas import tpu as pltpu
from jax.experimental.pallas import tpu_sc as plsc

N = 100000
H = 128
E = 100000

NC = 2
NS = 16
L = 16
SEG = 5120
NP = 10
NPAD = NP * NC * SEG
EC = 6272
K = 32
DUMMY_DST = 1 << 20
TRASH = EC + K
CMPSZ = EC + K + 16

_ROWS_PER_SUB = SEG // NS
_ZCH = 32


def _prep_body(x_ref, h_ref, wf_ref, uf_ref, bias_ref, p_ref, q_ref):
    p_ref[...] = (
        jnp.dot(x_ref[...], wf_ref[...], precision=lax.Precision.HIGHEST,
                preferred_element_type=jnp.float32)
        + bias_ref[...]
    )
    q_ref[...] = jnp.dot(h_ref[...], uf_ref[...],
                         precision=lax.Precision.HIGHEST,
                         preferred_element_type=jnp.float32)


def _final_body(x_ref, cred_ref, hagg_ref, wiou_ref, uiou_ref, biou_ref,
                hout_ref, cout_ref):
    iou = (
        jnp.dot(x_ref[...], wiou_ref[...], precision=lax.Precision.HIGHEST,
                preferred_element_type=jnp.float32)
        + jnp.dot(hagg_ref[...], uiou_ref[...],
                  precision=lax.Precision.HIGHEST,
                  preferred_element_type=jnp.float32)
        + biou_ref[...]
    )
    i = jax.nn.sigmoid(iou[:, :H])
    o = jax.nn.sigmoid(iou[:, H:2 * H])
    u = jnp.tanh(iou[:, 2 * H:])
    c_new = i * u + cred_ref[...]
    hout_ref[...] = o * jnp.tanh(c_new)
    cout_ref[...] = c_new


def _edge_kernel(dst_hbm, src_hbm, h_hbm, c_hbm, p_hbm, q_hbm,
                 credp_hbm, haggp_hbm,
                 dst_v, src_v, cmp_v,
                 idx_s, idx_d, idx_dl, bh, bc, bq, bp,
                 zeros_v, scr16, acc_c, acc_h, sem):
    cid = lax.axis_index("c")
    sid = lax.axis_index("s")

    pltpu.sync_copy(dst_hbm.at[sid], dst_v)
    pltpu.sync_copy(src_hbm.at[sid], src_v)

    def zinit(i, carry):
        r = i // (H // L)
        col = pl.multiple_of((i % (H // L)) * L, L)
        zeros_v[r, pl.ds(col, L)] = jnp.zeros((L,), jnp.float32)
        return carry

    lax.fori_loop(0, _ZCH * (H // L), zinit, 0)

    def one_pass(p, carry):
        base = (p * NC + cid) * SEG

        for z in range(_ROWS_PER_SUB // _ZCH):
            row0 = sid * _ROWS_PER_SUB + z * _ZCH
            pltpu.sync_copy(zeros_v, acc_c.at[pl.ds(row0, _ZCH)])
            pltpu.sync_copy(zeros_v, acc_h.at[pl.ds(row0, _ZCH)])
        plsc.subcore_barrier()

        def filt(j, cnt):
            off = pl.multiple_of(j * L, L)
            iot = lax.iota(jnp.int32, L)
            ids = iot + off
            d = dst_v[pl.ds(off, L)]
            m = jnp.logical_and(d >= base, d < base + SEG)
            key = jnp.where(m, iot, iot + L)
            _, sv = plsc.sort_key_val(key, ids)
            cmp_v[pl.ds(cnt, L)] = sv
            pc = plsc.all_reduce_population_count(m)
            return cnt + pc[0]

        m_cnt = lax.fori_loop(0, EC // L, filt, jnp.int32(0))

        for t in range(K // L):
            pos = m_cnt + t * L + lax.iota(jnp.int32, L)
            plsc.store_scatter(cmp_v, [pos], jnp.full((L,), EC - 1, jnp.int32))

        n_chunks = (m_cnt + (K - 1)) // K

        def chunk(ck, carry2):
            off = pl.multiple_of(ck * K, K)
            for t in range(K // L):
                ids = cmp_v[pl.ds(off + t * L, L)]
                sidx = plsc.load_gather(src_v, [ids])
                d = plsc.load_gather(dst_v, [ids])
                idx_s[pl.ds(t * L, L)] = sidx
                idx_d[pl.ds(t * L, L)] = jnp.minimum(d, N - 1)
                idx_dl[pl.ds(t * L, L)] = jnp.clip(d - base, 0, SEG)
            cp1 = pltpu.async_copy(h_hbm.at[idx_s], bh, sem)
            cp2 = pltpu.async_copy(c_hbm.at[idx_s], bc, sem)
            cp3 = pltpu.async_copy(q_hbm.at[idx_s], bq, sem)
            cp4 = pltpu.async_copy(p_hbm.at[idx_d], bp, sem)
            cp1.wait()
            cp2.wait()
            cp3.wait()
            cp4.wait()

            def fuse(r, carry3):
                for t in range(H // L):
                    col = t * L
                    pv = bp[r, pl.ds(col, L)]
                    qv = bq[r, pl.ds(col, L)]
                    cv = bc[r, pl.ds(col, L)]
                    f = 1.0 / (1.0 + jnp.exp(-(pv + qv)))
                    bc[r, pl.ds(col, L)] = f * cv
                return carry3

            lax.fori_loop(0, K, fuse, 0)
            pltpu.sync_copy(bc, acc_c.at[idx_dl], add=True)
            pltpu.sync_copy(bh, acc_h.at[idx_dl], add=True)
            return carry2

        lax.fori_loop(0, n_chunks, chunk, 0)
        plsc.subcore_barrier()

        row0 = sid * _ROWS_PER_SUB
        pltpu.sync_copy(acc_c.at[pl.ds(row0, _ROWS_PER_SUB)],
                        credp_hbm.at[pl.ds(base + row0, _ROWS_PER_SUB)])
        pltpu.sync_copy(acc_h.at[pl.ds(row0, _ROWS_PER_SUB)],
                        haggp_hbm.at[pl.ds(base + row0, _ROWS_PER_SUB)])
        plsc.subcore_barrier()
        return carry

    lax.fori_loop(0, NP, one_pass, 0)


@jax.jit
def kernel(x, h, c, W_iou, U_iou, b_iou, W_f_w, W_f_b, b_f, U_f_w, U_f_b,
           edge_index):
    R = 1000
    grid = N // R

    bias_f = (W_f_b + b_f[0] + U_f_b).reshape(1, H)
    p_arr, q_arr = pl.pallas_call(
        _prep_body,
        grid=(grid,),
        in_specs=[
            pl.BlockSpec((R, H), lambda i: (i, 0)),
            pl.BlockSpec((R, H), lambda i: (i, 0)),
            pl.BlockSpec((H, H), lambda i: (0, 0)),
            pl.BlockSpec((H, H), lambda i: (0, 0)),
            pl.BlockSpec((1, H), lambda i: (0, 0)),
        ],
        out_specs=[
            pl.BlockSpec((R, H), lambda i: (i, 0)),
            pl.BlockSpec((R, H), lambda i: (i, 0)),
        ],
        out_shape=[
            jax.ShapeDtypeStruct((N, H), jnp.float32),
            jax.ShapeDtypeStruct((N, H), jnp.float32),
        ],
    )(x, h, W_f_w.T, U_f_w.T, bias_f)

    src = edge_index[0].reshape(NS, E // NS)
    dst = edge_index[1].reshape(NS, E // NS)
    pad = ((0, 0), (0, EC - E // NS))
    src_p = jnp.pad(src, pad, constant_values=0)
    dst_p = jnp.pad(dst, pad, constant_values=DUMMY_DST)

    mesh = plsc.VectorSubcoreMesh(core_axis_name="c", subcore_axis_name="s")
    credp, haggp = pl.kernel(
        _edge_kernel,
        out_type=[
            jax.ShapeDtypeStruct((NPAD, H), jnp.float32),
            jax.ShapeDtypeStruct((NPAD, H), jnp.float32),
        ],
        mesh=mesh,
        compiler_params=pltpu.CompilerParams(needs_layout_passes=False),
        scratch_types=[
            pltpu.VMEM((EC,), jnp.int32),
            pltpu.VMEM((EC,), jnp.int32),
            pltpu.VMEM((CMPSZ,), jnp.int32),
            pltpu.VMEM((K,), jnp.int32),
            pltpu.VMEM((K,), jnp.int32),
            pltpu.VMEM((K,), jnp.int32),
            pltpu.VMEM((K, H), jnp.float32),
            pltpu.VMEM((K, H), jnp.float32),
            pltpu.VMEM((K, H), jnp.float32),
            pltpu.VMEM((K, H), jnp.float32),
            pltpu.VMEM((_ZCH, H), jnp.float32),
            pltpu.VMEM((L,), jnp.int32),
            pltpu.VMEM_SHARED((SEG + 8, H), jnp.float32),
            pltpu.VMEM_SHARED((SEG + 8, H), jnp.float32),
            pltpu.SemaphoreType.DMA,
        ],
    )(dst_p, src_p, h, c, p_arr, q_arr)

    c_red = credp[:N]
    h_agg = haggp[:N]

    h_new, c_new = pl.pallas_call(
        _final_body,
        grid=(grid,),
        in_specs=[
            pl.BlockSpec((R, H), lambda i: (i, 0)),
            pl.BlockSpec((R, H), lambda i: (i, 0)),
            pl.BlockSpec((R, H), lambda i: (i, 0)),
            pl.BlockSpec((H, 3 * H), lambda i: (0, 0)),
            pl.BlockSpec((H, 3 * H), lambda i: (0, 0)),
            pl.BlockSpec((1, 3 * H), lambda i: (0, 0)),
        ],
        out_specs=[
            pl.BlockSpec((R, H), lambda i: (i, 0)),
            pl.BlockSpec((R, H), lambda i: (i, 0)),
        ],
        out_shape=[
            jax.ShapeDtypeStruct((N, H), jnp.float32),
            jax.ShapeDtypeStruct((N, H), jnp.float32),
        ],
    )(x, c_red, h_agg, W_iou.T, U_iou.T, b_iou)

    return h_new, c_new

# --- scband reference (transcript-rebuilt; emitter-appended) ---
"""Pipeline reference for scband-tree-lstmcell-53506702573723 (READ-ONLY COPY).

The authoritative reference and input builder live on the scoring server;
editing this copy changes nothing except your own understanding.
"""

import jax, jax.numpy as jnp
import numpy as np

N = 100000
X_SIZE = 128
H_SIZE = 128
E = 100000


def setup_inputs(seed: int = 0) -> dict:
    key = jax.random.key(seed)
    ks = jax.random.split(key, 12)
    inp = {
        "x": jax.random.normal(ks[0], (N, X_SIZE), dtype=jnp.float32),
        "h": jax.random.normal(ks[1], (N, H_SIZE), dtype=jnp.float32),
        "c": jax.random.normal(ks[2], (N, H_SIZE), dtype=jnp.float32),
        "W_iou": jax.random.normal(ks[3], (3 * H_SIZE, X_SIZE), dtype=jnp.float32) / np.sqrt(X_SIZE),
        "U_iou": jax.random.normal(ks[4], (3 * H_SIZE, H_SIZE), dtype=jnp.float32) / np.sqrt(H_SIZE),
        "b_iou": jnp.zeros((1, 3 * H_SIZE), dtype=jnp.float32),
        "W_f_w": jax.random.normal(ks[5], (H_SIZE, X_SIZE), dtype=jnp.float32) / np.sqrt(X_SIZE),
        "W_f_b": jax.random.normal(ks[6], (H_SIZE,), dtype=jnp.float32) * 0.01,
        "b_f": jnp.zeros((1, H_SIZE), dtype=jnp.float32),
        "U_f_w": jax.random.normal(ks[7], (H_SIZE, H_SIZE), dtype=jnp.float32) / np.sqrt(H_SIZE),
        "U_f_b": jax.random.normal(ks[8], (H_SIZE,), dtype=jnp.float32) * 0.01,
        "edge_index": jax.random.randint(ks[9], (2, E), 0, N, dtype=jnp.int32),
    }
    return inp


def reference(x, h, c, W_iou, U_iou, b_iou, W_f_w, W_f_b, b_f, U_f_w, U_f_b, edge_index):
    src = edge_index[0]
    dst = edge_index[1]
    # node-level precomputation (DGL pattern: g.ndata['Wx'], g.ndata['Wfx'])
    Wx = x @ W_iou.T                 # [N, 3H], W_iou has no bias
    Wfx = x @ W_f_w.T + W_f_b        # [N, H],  W_f has bias
    # message_func: gather child states along edges
    h_src = jnp.take(h, src, axis=0)  # [E, H]
    c_src = jnp.take(c, src, axis=0)  # [E, H]
    # reduce_func: per-child forget gate, weighted child cell sum, U_iou of child h
    f = jax.nn.sigmoid(jnp.take(Wfx, dst, axis=0) + h_src @ U_f_w.T + U_f_b + b_f)  # [E, H]
    c_red = jax.ops.segment_sum(f * c_src, dst, num_segments=N)                      # [N, H]
    iou_red = jax.ops.segment_sum(h_src @ U_iou.T, dst, num_segments=N)              # [N, 3H]
    # apply_node_func
    iou = Wx + b_iou + iou_red
    i, o, u = jnp.split(iou, 3, axis=1)
    i = jax.nn.sigmoid(i)
    o = jax.nn.sigmoid(o)
    u = jnp.tanh(u)
    c_new = i * u + c_red
    h_new = o * jnp.tanh(c_new)
    return h_new, c_new

if __name__ == "__main__":
    import jax
    _d = setup_inputs()
    print(jax.jit(kernel)(*tuple(_d.values())))

</pallas_src>

<mosaic_0001>
#map = affine_map<(d0, d1) -> (0, 0)>
module attributes {stable_mosaic.version = 14 : i64} {
  func.func @_edge_kernel(%arg0: i32, %arg1: i32, %arg2: memref<16x6272xi32, #tpu.memory_space<hbm>>, %arg3: memref<16x6272xi32, #tpu.memory_space<hbm>>, %arg4: memref<100000x128xf32, #tpu.memory_space<hbm>>, %arg5: memref<100000x128xf32, #tpu.memory_space<hbm>>, %arg6: memref<100000x128xf32, #tpu.memory_space<hbm>>, %arg7: memref<100000x128xf32, #tpu.memory_space<hbm>>, %arg8: memref<102400x128xf32, #tpu.memory_space<hbm>>, %arg9: memref<102400x128xf32, #tpu.memory_space<hbm>>, %arg10: memref<6272xi32, #tpu.memory_space<vmem>>, %arg11: memref<6272xi32, #tpu.memory_space<vmem>>, %arg12: memref<6320xi32, #tpu.memory_space<vmem>>, %arg13: memref<32xi32, #tpu.memory_space<vmem>>, %arg14: memref<32xi32, #tpu.memory_space<vmem>>, %arg15: memref<32xi32, #tpu.memory_space<vmem>>, %arg16: memref<32x128xf32, #tpu.memory_space<vmem>>, %arg17: memref<32x128xf32, #tpu.memory_space<vmem>>, %arg18: memref<32x128xf32, #tpu.memory_space<vmem>>, %arg19: memref<32x128xf32, #tpu.memory_space<vmem>>, %arg20: memref<32x128xf32, #tpu.memory_space<vmem>>, %arg21: memref<16xi32, #tpu.memory_space<vmem>>, %arg22: memref<5128x128xf32, #tpu.memory_space<vmem_shared>>, %arg23: memref<5128x128xf32, #tpu.memory_space<vmem_shared>>, %arg24: memref<!tpu.dma_semaphore, #tpu.memory_space<semaphore_mem>>) attributes {dimension_semantics = [#tpu.dimension_semantics<core_parallel>, #tpu.dimension_semantics<subcore_parallel>], iteration_bounds = array<i64: 2, 16>, scalar_prefetch = 0 : i64, scratch_operands = 15 : i64, tpu.core_type = #tpu.core_type<sc_vector_subcore>, window_params = [{transform_indices = #map}, {transform_indices = #map}, {transform_indices = #map}, {transform_indices = #map}, {transform_indices = #map}, {transform_indices = #map}, {transform_indices = #map}, {transform_indices = #map}]} {
    "tpu.region"() ({
      %run_scoped3A = tpu.sem_alloc : memref<!tpu.dma_semaphore, #tpu.memory_space<semaphore_mem>>
      %dma_start3A = arith.constant 0 : i32
      %dma_start3A_11 = tpu.memref_slice %arg2[%arg1, %dma_start3A] : memref<16x6272xi32, #tpu.memory_space<hbm>> -> memref<1x6272xi32, #tpu.memory_space<hbm>>
      %dma_start3A_12 = tpu.memref_squeeze %dma_start3A_11 : memref<1x6272xi32, #tpu.memory_space<hbm>> -> memref<6272xi32, #tpu.memory_space<hbm>>
      %dma_start3A_13 = arith.constant 0 : i32
      %dma_start3A_14 = tpu.memref_slice %arg2[%arg1, %dma_start3A_13] : memref<16x6272xi32, #tpu.memory_space<hbm>> -> memref<1x6272xi32, #tpu.memory_space<hbm>>
      %dma_start3A_15 = tpu.memref_squeeze %dma_start3A_14 : memref<1x6272xi32, #tpu.memory_space<hbm>> -> memref<6272xi32, #tpu.memory_space<hbm>>
      tpu.enqueue_dma source(%dma_start3A_15 : memref<6272xi32, #tpu.memory_space<hbm>>) target(%arg10 : memref<6272xi32, #tpu.memory_space<vmem>>) target_semaphore(%run_scoped3A : memref<!tpu.dma_semaphore, #tpu.memory_space<semaphore_mem>>)
      %dma_wait3A = arith.constant 0 : i32
      %dma_wait3A_16 = tpu.memref_slice %arg2[%arg1, %dma_wait3A] : memref<16x6272xi32, #tpu.memory_space<hbm>> -> memref<1x6272xi32, #tpu.memory_space<hbm>>
      %dma_wait3A_17 = tpu.memref_squeeze %dma_wait3A_16 : memref<1x6272xi32, #tpu.memory_space<hbm>> -> memref<6272xi32, #tpu.memory_space<hbm>>
      %dma_wait3A_18 = arith.constant 0 : i32
      %dma_wait3A_19 = tpu.memref_slice %arg2[%arg1, %dma_wait3A_18] : memref<16x6272xi32, #tpu.memory_space<hbm>> -> memref<1x6272xi32, #tpu.memory_space<hbm>>
      %dma_wait3A_20 = tpu.memref_squeeze %dma_wait3A_19 : memref<1x6272xi32, #tpu.memory_space<hbm>> -> memref<6272xi32, #tpu.memory_space<hbm>>
      tpu.wait_dma2 semaphore(%run_scoped3A : memref<!tpu.dma_semaphore, #tpu.memory_space<semaphore_mem>>) src(%dma_wait3A_20 : memref<6272xi32, #tpu.memory_space<hbm>>) dst(%arg10 : memref<6272xi32, #tpu.memory_space<vmem>>)
      tpu.yield
    }) : () -> ()
    "tpu.region"() ({
      %run_scoped3A = tpu.sem_alloc : memref<!tpu.dma_semaphore, #tpu.memory_space<semaphore_mem>>
      %dma_start3A = arith.constant 0 : i32
      %dma_start3A_11 = tpu.memref_slice %arg3[%arg1, %dma_start3A] : memref<16x6272xi32, #tpu.memory_space<hbm>> -> memref<1x6272xi32, #tpu.memory_space<hbm>>
      %dma_start3A_12 = tpu.memref_squeeze %dma_start3A_11 : memref<1x6272xi32, #tpu.memory_space<hbm>> -> memref<6272xi32, #tpu.memory_space<hbm>>
      %dma_start3A_13 = arith.constant 0 : i32
      %dma_start3A_14 = tpu.memref_slice %arg3[%arg1, %dma_start3A_13] : memref<16x6272xi32, #tpu.memory_space<hbm>> -> memref<1x6272xi32, #tpu.memory_space<hbm>>
      %dma_start3A_15 = tpu.memref_squeeze %dma_start3A_14 : memref<1x6272xi32, #tpu.memory_space<hbm>> -> memref<6272xi32, #tpu.memory_space<hbm>>
      tpu.enqueue_dma source(%dma_start3A_15 : memref<6272xi32, #tpu.memory_space<hbm>>) target(%arg11 : memref<6272xi32, #tpu.memory_space<vmem>>) target_semaphore(%run_scoped3A : memref<!tpu.dma_semaphore, #tpu.memory_space<semaphore_mem>>)
      %dma_wait3A = arith.constant 0 : i32
      %dma_wait3A_16 = tpu.memref_slice %arg3[%arg1, %dma_wait3A] : memref<16x6272xi32, #tpu.memory_space<hbm>> -> memref<1x6272xi32, #tpu.memory_space<hbm>>
      %dma_wait3A_17 = tpu.memref_squeeze %dma_wait3A_16 : memref<1x6272xi32, #tpu.memory_space<hbm>> -> memref<6272xi32, #tpu.memory_space<hbm>>
      %dma_wait3A_18 = arith.constant 0 : i32
      %dma_wait3A_19 = tpu.memref_slice %arg3[%arg1, %dma_wait3A_18] : memref<16x6272xi32, #tpu.memory_space<hbm>> -> memref<1x6272xi32, #tpu.memory_space<hbm>>
      %dma_wait3A_20 = tpu.memref_squeeze %dma_wait3A_19 : memref<1x6272xi32, #tpu.memory_space<hbm>> -> memref<6272xi32, #tpu.memory_space<hbm>>
      tpu.wait_dma2 semaphore(%run_scoped3A : memref<!tpu.dma_semaphore, #tpu.memory_space<semaphore_mem>>) src(%dma_wait3A_20 : memref<6272xi32, #tpu.memory_space<hbm>>) dst(%arg11 : memref<6272xi32, #tpu.memory_space<vmem>>)
      tpu.yield
    }) : () -> ()
    %scan3A = arith.constant 0 : i32
    %scan3A_0 = arith.constant 0 : i32
    %scan3A_1 = arith.constant 256 : i32
    %scan3A_2 = arith.addi %scan3A_0, %scan3A_1 : i32
    %scan3A_3 = arith.constant 1 : i32
    scf.for %scan3A_11 = %scan3A_0 to %scan3A_2 step %scan3A_3  : i32 {
      %jit3A = arith.constant 8 : i32
      %div3A = arith.divsi %scan3A_11, %jit3A : i32
      %sign3A = arith.constant 0 : i32
      %sign3A_12 = arith.cmpi sgt, %scan3A_11, %sign3A : i32
      %sign3A_13 = arith.extui %sign3A_12 : i1 to i32
      %sign3A_14 = arith.constant 0 : i32
      %sign3A_15 = arith.cmpi slt, %scan3A_11, %sign3A_14 : i32
      %sign3A_16 = arith.extui %sign3A_15 : i1 to i32
      %sign3A_17 = arith.subi %sign3A_13, %sign3A_16 : i32
      %sign3A_18 = arith.constant 0 : i32
      %sign3A_19 = arith.cmpi sgt, %jit3A, %sign3A_18 : i32
      %sign3A_20 = arith.extui %sign3A_19 : i1 to i32
      %sign3A_21 = arith.constant 0 : i32
      %sign3A_22 = arith.cmpi slt, %jit3A, %sign3A_21 : i32
      %sign3A_23 = arith.extui %sign3A_22 : i1 to i32
      %sign3A_24 = arith.subi %sign3A_20, %sign3A_23 : i32
      %ne3A = arith.cmpi ne, %sign3A_17, %sign3A_24 : i32
      %rem3A = arith.remsi %scan3A_11, %jit3A : i32
      %ne3A_25 = arith.constant 0 : i32
      %ne3A_26 = arith.cmpi ne, %rem3A, %ne3A_25 : i32
      %and3A = arith.andi %ne3A, %ne3A_26 : i1
      %sub3A = arith.constant 1 : i32
      %sub3A_27 = arith.subi %div3A, %sub3A : i32
      %select_n3A = arith.select %and3A, %sub3A_27, %div3A : i32
      %jit3A_28 = arith.constant 8 : i32
      %eq3A = arith.constant 0 : i32
      %eq3A_29 = arith.cmpi eq, %jit3A_28, %eq3A : i32
      %jit3A_30 = arith.constant 1 : i32
      %select_n3A_31 = arith.select %eq3A_29, %jit3A_30, %jit3A_28 : i32
      %rem3A_32 = arith.remsi %scan3A_11, %select_n3A_31 : i32
      %ne3A_33 = arith.constant 0 : i32
      %ne3A_34 = arith.cmpi ne, %rem3A_32, %ne3A_33 : i32
      %lt3A = arith.constant 0 : i32
      %lt3A_35 = arith.cmpi slt, %rem3A_32, %lt3A : i32
      %lt3A_36 = arith.constant 0 : i32
      %lt3A_37 = arith.cmpi slt, %select_n3A_31, %lt3A_36 : i32
      %ne3A_38 = arith.xori %lt3A_35, %lt3A_37 : i1
      %and3A_39 = arith.andi %ne3A_38, %ne3A_34 : i1
      %add3A = arith.addi %rem3A_32, %select_n3A_31 : i32
      %select_n3A_40 = arith.select %and3A_39, %add3A, %rem3A_32 : i32
      %mul3A = arith.constant 16 : i32
      %mul3A_41 = arith.muli %select_n3A_40, %mul3A : i32
      %multiple_of3A = tpu.assume_multiple %mul3A_41, 16 : i32
      %broadcast_in_dim3A = arith.constant 0.000000e+00 : f32
      %broadcast_in_dim3A_42 = vector.broadcast %broadcast_in_dim3A : f32 to vector<16xf32>
      %swap3A = arith.index_cast %select_n3A : i32 to index
      %swap3A_43 = arith.index_cast %multiple_of3A : i32 to index
      %swap3A_44 = tpu.vector_load %arg20[%swap3A, %swap3A_43] {strides = array<i32>} : memref<32x128xf32, #tpu.memory_space<vmem>>, vector<16xf32>,
      tpu.vector_store %arg20[%swap3A, %swap3A_43], %broadcast_in_dim3A_42 {strides = array<i32>} : memref<32x128xf32, #tpu.memory_space<vmem>>, vector<16xf32>,
    }
    %scan3A_4 = arith.constant 256 : i32
    %scan3A_5 = arith.constant 0 : i32
    %scan3A_6 = arith.constant 0 : i32
    %scan3A_7 = arith.constant 10 : i32
    %scan3A_8 = arith.addi %scan3A_6, %scan3A_7 : i32
    %scan3A_9 = arith.constant 1 : i32
    scf.for %scan3A_11 = %scan3A_6 to %scan3A_8 step %scan3A_9  : i32 {
      %mul3A = arith.constant 2 : i32
      %mul3A_12 = arith.muli %scan3A_11, %mul3A : i32
      %add3A = arith.addi %mul3A_12, %arg0 : i32
      %mul3A_13 = arith.constant 5120 : i32
      %mul3A_14 = arith.muli %add3A, %mul3A_13 : i32
      %mul3A_15 = arith.constant 320 : i32
      %mul3A_16 = arith.muli %arg1, %mul3A_15 : i32
      %add3A_17 = arith.constant 0 : i32
      %add3A_18 = arith.addi %mul3A_16, %add3A_17 : i32
      "tpu.region"() ({
        %run_scoped3A = tpu.sem_alloc : memref<!tpu.dma_semaphore, #tpu.memory_space<semaphore_mem>>
        %dma_start3A = arith.constant 0 : i32
        %dma_start3A_107 = tpu.memref_slice %arg22[%add3A_18, %dma_start3A] : memref<5128x128xf32, #tpu.memory_space<vmem_shared>> -> memref<32x128xf32, #tpu.memory_space<vmem_shared>>
        %dma_start3A_108 = arith.constant 0 : i32
        %dma_start3A_109 = tpu.memref_slice %arg22[%add3A_18, %dma_start3A_108] : memref<5128x128xf32, #tpu.memory_space<vmem_shared>> -> memref<32x128xf32, #tpu.memory_space<vmem_shared>>
        tpu.enqueue_dma source(%arg20 : memref<32x128xf32, #tpu.memory_space<vmem>>) target(%dma_start3A_109 : memref<32x128xf32, #tpu.memory_space<vmem_shared>>) target_semaphore(%run_scoped3A : memref<!tpu.dma_semaphore, #tpu.memory_space<semaphore_mem>>)
        %dma_wait3A = arith.constant 0 : i32
        %dma_wait3A_110 = tpu.memref_slice %arg22[%add3A_18, %dma_wait3A] : memref<5128x128xf32, #tpu.memory_space<vmem_shared>> -> memref<32x128xf32, #tpu.memory_space<vmem_shared>>
        %dma_wait3A_111 = arith.constant 0 : i32
        %dma_wait3A_112 = tpu.memref_slice %arg22[%add3A_18, %dma_wait3A_111] : memref<5128x128xf32, #tpu.memory_space<vmem_shared>> -> memref<32x128xf32, #tpu.memory_space<vmem_shared>>
        tpu.wait_dma2 semaphore(%run_scoped3A : memref<!tpu.dma_semaphore, #tpu.memory_space<semaphore_mem>>) src(%arg20 : memref<32x128xf32, #tpu.memory_space<vmem>>) dst(%dma_wait3A_112 : memref<32x128xf32, #tpu.memory_space<vmem_shared>>)
        tpu.yield
      }) : () -> ()
      "tpu.region"() ({
        %run_scoped3A = tpu.sem_alloc : memref<!tpu.dma_semaphore, #tpu.memory_space<semaphore_mem>>
        %dma_start3A = arith.constant 0 : i32
        %dma_start3A_107 = tpu.memref_slice %arg23[%add3A_18, %dma_start3A] : memref<5128x128xf32, #tpu.memory_space<vmem_shared>> -> memref<32x128xf32, #tpu.memory_space<vmem_shared>>
        %dma_start3A_108 = arith.constant 0 : i32
        %dma_start3A_109 = tpu.memref_slice %arg23[%add3A_18, %dma_start3A_108] : memref<5128x128xf32, #tpu.memory_space<vmem_shared>> -> memref<32x128xf32, #tpu.memory_space<vmem_shared>>
        tpu.enqueue_dma source(%arg20 : memref<32x128xf32, #tpu.memory_space<vmem>>) target(%dma_start3A_109 : memref<32x128xf32, #tpu.memory_space<vmem_shared>>) target_semaphore(%run_scoped3A : memref<!tpu.dma_semaphore, #tpu.memory_space<semaphore_mem>>)
        %dma_wait3A = arith.constant 0 : i32
        %dma_wait3A_110 = tpu.memref_slice %arg23[%add3A_18, %dma_wait3A] : memref<5128x128xf32, #tpu.memory_space<vmem_shared>> -> memref<32x128xf32, #tpu.memory_space<vmem_shared>>
        %dma_wait3A_111 = arith.constant 0 : i32
        %dma_wait3A_112 = tpu.memref_slice %arg23[%add3A_18, %dma_wait3A_111] : memref<5128x128xf32, #tpu.memory_space<vmem_shared>> -> memref<32x128xf32, #tpu.memory_space<vmem_shared>>
        tpu.wait_dma2 semaphore(%run_scoped3A : memref<!tpu.dma_semaphore, #tpu.memory_space<semaphore_mem>>) src(%arg20 : memref<32x128xf32, #tpu.memory_space<vmem>>) dst(%dma_wait3A_112 : memref<32x128xf32, #tpu.memory_space<vmem_shared>>)
        tpu.yield
      }) : () -> ()
      %mul3A_19 = arith.constant 320 : i32
      %mul3A_20 = arith.muli %arg1, %mul3A_19 : i32
      %add3A_21 = arith.constant 32 : i32
      %add3A_22 = arith.addi %mul3A_20, %add3A_21 : i32
      "tpu.region"() ({
        %run_scoped3A = tpu.sem_alloc : memref<!tpu.dma_semaphore, #tpu.memory_space<semaphore_mem>>
        %dma_start3A = arith.constant 0 : i32
        %dma_start3A_107 = tpu.memref_slice %arg22[%add3A_22, %dma_start3A] : memref<5128x128xf32, #tpu.memory_space<vmem_shared>> -> memref<32x128xf32, #tpu.memory_space<vmem_shared>>
        %dma_start3A_108 = arith.constant 0 : i32
        %dma_start3A_109 = tpu.memref_slice %arg22[%add3A_22, %dma_start3A_108] : memref<5128x128xf32, #tpu.memory_space<vmem_shared>> -> memref<32x128xf32, #tpu.memory_space<vmem_shared>>
        tpu.enqueue_dma source(%arg20 : memref<32x128xf32, #tpu.memory_space<vmem>>) target(%dma_start3A_109 : memref<32x128xf32, #tpu.memory_space<vmem_shared>>) target_semaphore(%run_scoped3A : memref<!tpu.dma_semaphore, #tpu.memory_space<semaphore_mem>>)
        %dma_wait3A = arith.constant 0 : i32
        %dma_wait3A_110 = tpu.memref_slice %arg22[%add3A_22, %dma_wait3A] : memref<5128x128xf32, #tpu.memory_space<vmem_shared>> -> memref<32x128xf32, #tpu.memory_space<vmem_shared>>
        %dma_wait3A_111 = arith.constant 0 : i32
        %dma_wait3A_112 = tpu.memref_slice %arg22[%add3A_22, %dma_wait3A_111] : memref<5128x128xf32, #tpu.memory_space<vmem_shared>> -> memref<32x128xf32, #tpu.memory_space<vmem_shared>>
        tpu.wait_dma2 semaphore(%run_scoped3A : memref<!tpu.dma_semaphore, #tpu.memory_space<semaphore_mem>>) src(%arg20 : memref<32x128xf32, #tpu.memory_space<vmem>>) dst(%dma_wait3A_112 : memref<32x128xf32, #tpu.memory_space<vmem_shared>>)
        tpu.yield
      }) : () -> ()
      "tpu.region"() ({
        %run_scoped3A = tpu.sem_alloc : memref<!tpu.dma_semaphore, #tpu.memory_space<semaphore_mem>>
        %dma_start3A = arith.constant 0 : i32
        %dma_start3A_107 = tpu.memref_slice %arg23[%add3A_22, %dma_start3A] : memref<5128x128xf32, #tpu.memory_space<vmem_shared>> -> memref<32x128xf32, #tpu.memory_space<vmem_shared>>
        %dma_start3A_108 = arith.constant 0 : i32
        %dma_start3A_109 = tpu.memref_slice %arg23[%add3A_22, %dma_start3A_108] : memref<5128x128xf32, #tpu.memory_space<vmem_shared>> -> memref<32x128xf32, #tpu.memory_space<vmem_shared>>
        tpu.enqueue_dma source(%arg20 : memref<32x128xf32, #tpu.memory_space<vmem>>) target(%dma_start3A_109 : memref<32x128xf32, #tpu.memory_space<vmem_shared>>) target_semaphore(%run_scoped3A : memref<!tpu.dma_semaphore, #tpu.memory_space<semaphore_mem>>)
        %dma_wait3A = arith.constant 0 : i32
        %dma_wait3A_110 = tpu.memref_slice %arg23[%add3A_22, %dma_wait3A] : memref<5128x128xf32, #tpu.memory_space<vmem_shared>> -> memref<32x128xf32, #tpu.memory_space<vmem_shared>>
        %dma_wait3A_111 = arith.constant 0 : i32
        %dma_wait3A_112 = tpu.memref_slice %arg23[%add3A_22, %dma_wait3A_111] : memref<5128x128xf32, #tpu.memory_space<vmem_shared>> -> memref<32x128xf32, #tpu.memory_space<vmem_shared>>
        tpu.wait_dma2 semaphore(%run_scoped3A : memref<!tpu.dma_semaphore, #tpu.memory_space<semaphore_mem>>) src(%arg20 : memref<32x128xf32, #tpu.memory_space<vmem>>) dst(%dma_wait3A_112 : memref<32x128xf32, #tpu.memory_space<vmem_shared>>)
        tpu.yield
      }) : () -> ()
      %mul3A_23 = arith.constant 320 : i32
      %mul3A_24 = arith.muli %arg1, %mul3A_23 : i32
      %add3A_25 = arith.constant 64 : i32
      %add3A_26 = arith.addi %mul3A_24, %add3A_25 : i32
      "tpu.region"() ({
        %run_scoped3A = tpu.sem_alloc : memref<!tpu.dma_semaphore, #tpu.memory_space<semaphore_mem>>
        %dma_start3A = arith.constant 0 : i32
        %dma_start3A_107 = tpu.memref_slice %arg22[%add3A_26, %dma_start3A] : memref<5128x128xf32, #tpu.memory_space<vmem_shared>> -> memref<32x128xf32, #tpu.memory_space<vmem_shared>>
        %dma_start3A_108 = arith.constant 0 : i32
        %dma_start3A_109 = tpu.memref_slice %arg22[%add3A_26, %dma_start3A_108] : memref<5128x128xf32, #tpu.memory_space<vmem_shared>> -> memref<32x128xf32, #tpu.memory_space<vmem_shared>>
        tpu.enqueue_dma source(%arg20 : memref<32x128xf32, #tpu.memory_space<vmem>>) target(%dma_start3A_109 : memref<32x128xf32, #tpu.memory_space<vmem_shared>>) target_semaphore(%run_scoped3A : memref<!tpu.dma_semaphore, #tpu.memory_space<semaphore_mem>>)
        %dma_wait3A = arith.constant 0 : i32
        %dma_wait3A_110 = tpu.memref_slice %arg22[%add3A_26, %dma_wait3A] : memref<5128x128xf32, #tpu.memory_space<vmem_shared>> -> memref<32x128xf32, #tpu.memory_space<vmem_shared>>
        %dma_wait3A_111 = arith.constant 0 : i32
        %dma_wait3A_112 = tpu.memref_slice %arg22[%add3A_26, %dma_wait3A_111] : memref<5128x128xf32, #tpu.memory_space<vmem_shared>> -> memref<32x128xf32, #tpu.memory_space<vmem_shared>>
        tpu.wait_dma2 semaphore(%run_scoped3A : memref<!tpu.dma_semaphore, #tpu.memory_space<semaphore_mem>>) src(%arg20 : memref<32x128xf32, #tpu.memory_space<vmem>>) dst(%dma_wait3A_112 : memref<32x128xf32, #tpu.memory_space<vmem_shared>>)
        tpu.yield
      }) : () -> ()
      "tpu.region"() ({
        %run_scoped3A = tpu.sem_alloc : memref<!tpu.dma_semaphore, #tpu.memory_space<semaphore_mem>>
        %dma_start3A = arith.constant 0 : i32
        %dma_start3A_107 = tpu.memref_slice %arg23[%add3A_26, %dma_start3A] : memref<5128x128xf32, #tpu.memory_space<vmem_shared>> -> memref<32x128xf32, #tpu.memory_space<vmem_shared>>
        %dma_start3A_108 = arith.constant 0 : i32
        %dma_start3A_109 = tpu.memref_slice %arg23[%add3A_26, %dma_start3A_108] : memref<5128x128xf32, #tpu.memory_space<vmem_shared>> -> memref<32x128xf32, #tpu.memory_space<vmem_shared>>
        tpu.enqueue_dma source(%arg20 : memref<32x128xf32, #tpu.memory_space<vmem>>) target(%dma_start3A_109 : memref<32x128xf32, #tpu.memory_space<vmem_shared>>) target_semaphore(%run_scoped3A : memref<!tpu.dma_semaphore, #tpu.memory_space<semaphore_mem>>)
        %dma_wait3A = arith.constant 0 : i32
        %dma_wait3A_110 = tpu.memref_slice %arg23[%add3A_26, %dma_wait3A] : memref<5128x128xf32, #tpu.memory_space<vmem_shared>> -> memref<32x128xf32, #tpu.memory_space<vmem_shared>>
        %dma_wait3A_111 = arith.constant 0 : i32
        %dma_wait3A_112 = tpu.memref_slice %arg23[%add3A_26, %dma_wait3A_111] : memref<5128x128xf32, #tpu.memory_space<vmem_shared>> -> memref<32x128xf32, #tpu.memory_space<vmem_shared>>
        tpu.wait_dma2 semaphore(%run_scoped3A : memref<!tpu.dma_semaphore, #tpu.memory_space<semaphore_mem>>) src(%arg20 : memref<32x128xf32, #tpu.memory_space<vmem>>) dst(%dma_wait3A_112 : memref<32x128xf32, #tpu.memory_space<vmem_shared>>)
        tpu.yield
      }) : () -> ()
      %mul3A_27 = arith.constant 320 : i32
      %mul3A_28 = arith.muli %arg1, %mul3A_27 : i32
      %add3A_29 = arith.constant 96 : i32
      %add3A_30 = arith.addi %mul3A_28, %add3A_29 : i32
      "tpu.region"() ({
        %run_scoped3A = tpu.sem_alloc : memref<!tpu.dma_semaphore, #tpu.memory_space<semaphore_mem>>
        %dma_start3A = arith.constant 0 : i32
        %dma_start3A_107 = tpu.memref_slice %arg22[%add3A_30, %dma_start3A] : memref<5128x128xf32, #tpu.memory_space<vmem_shared>> -> memref<32x128xf32, #tpu.memory_space<vmem_shared>>
        %dma_start3A_108 = arith.constant 0 : i32
        %dma_start3A_109 = tpu.memref_slice %arg22[%add3A_30, %dma_start3A_108] : memref<5128x128xf32, #tpu.memory_space<vmem_shared>> -> memref<32x128xf32, #tpu.memory_space<vmem_shared>>
        tpu.enqueue_dma source(%arg20 : memref<32x128xf32, #tpu.memory_space<vmem>>) target(%dma_start3A_109 : memref<32x128xf32, #tpu.memory_space<vmem_shared>>) target_semaphore(%run_scoped3A : memref<!tpu.dma_semaphore, #tpu.memory_space<semaphore_mem>>)
        %dma_wait3A = arith.constant 0 : i32
        %dma_wait3A_110 = tpu.memref_slice %arg22[%add3A_30, %dma_wait3A] : memref<5128x128xf32, #tpu.memory_space<vmem_shared>> -> memref<32x128xf32, #tpu.memory_space<vmem_shared>>
        %dma_wait3A_111 = arith.constant 0 : i32
        %dma_wait3A_112 = tpu.memref_slice %arg22[%add3A_30, %dma_wait3A_111] : memref<5128x128xf32, #tpu.memory_space<vmem_shared>> -> memref<32x128xf32, #tpu.memory_space<vmem_shared>>
        tpu.wait_dma2 semaphore(%run_scoped3A : memref<!tpu.dma_semaphore, #tpu.memory_space<semaphore_mem>>) src(%arg20 : memref<32x128xf32, #tpu.memory_space<vmem>>) dst(%dma_wait3A_112 : memref<32x128xf32, #tpu.memory_space<vmem_shared>>)
        tpu.yield
      }) : () -> ()
      "tpu.region"() ({
        %run_scoped3A = tpu.sem_alloc : memref<!tpu.dma_semaphore, #tpu.memory_space<semaphore_mem>>
        %dma_start3A = arith.constant 0 : i32
        %dma_start3A_107 = tpu.memref_slice %arg23[%add3A_30, %dma_start3A] : memref<5128x128xf32, #tpu.memory_space<vmem_shared>> -> memref<32x128xf32, #tpu.memory_space<vmem_shared>>
        %dma_start3A_108 = arith.constant 0 : i32
        %dma_start3A_109 = tpu.memref_slice %arg23[%add3A_30, %dma_start3A_108] : memref<5128x128xf32, #tpu.memory_space<vmem_shared>> -> memref<32x128xf32, #tpu.memory_space<vmem_shared>>
        tpu.enqueue_dma source(%arg20 : memref<32x128xf32, #tpu.memory_space<vmem>>) target(%dma_start3A_109 : memref<32x128xf32, #tpu.memory_space<vmem_shared>>) target_semaphore(%run_scoped3A : memref<!tpu.dma_semaphore, #tpu.memory_space<semaphore_mem>>)
        %dma_wait3A = arith.constant 0 : i32
        %dma_wait3A_110 = tpu.memref_slice %arg23[%add3A_30, %dma_wait3A] : memref<5128x128xf32, #tpu.memory_space<vmem_shared>> -> memref<32x128xf32, #tpu.memory_space<vmem_shared>>
        %dma_wait3A_111 = arith.constant 0 : i32
        %dma_wait3A_112 = tpu.memref_slice %arg23[%add3A_30, %dma_wait3A_111] : memref<5128x128xf32, #tpu.memory_space<vmem_shared>> -> memref<32x128xf32, #tpu.memory_space<vmem_shared>>
        tpu.wait_dma2 semaphore(%run_scoped3A : memref<!tpu.dma_semaphore, #tpu.memory_space<semaphore_mem>>) src(%arg20 : memref<32x128xf32, #tpu.memory_space<vmem>>) dst(%dma_wait3A_112 : memref<32x128xf32, #tpu.memory_space<vmem_shared>>)
        tpu.yield
      }) : () -> ()
      %mul3A_31 = arith.constant 320 : i32
      %mul3A_32 = arith.muli %arg1, %mul3A_31 : i32
      %add3A_33 = arith.constant 128 : i32
      %add3A_34 = arith.addi %mul3A_32, %add3A_33 : i32
      "tpu.region"() ({
        %run_scoped3A = tpu.sem_alloc : memref<!tpu.dma_semaphore, #tpu.memory_space<semaphore_mem>>
        %dma_start3A = arith.constant 0 : i32
        %dma_start3A_107 = tpu.memref_slice %arg22[%add3A_34, %dma_start3A] : memref<5128x128xf32, #tpu.memory_space<vmem_shared>> -> memref<32x128xf32, #tpu.memory_space<vmem_shared>>
        %dma_start3A_108 = arith.constant 0 : i32
        %dma_start3A_109 = tpu.memref_slice %arg22[%add3A_34, %dma_start3A_108] : memref<5128x128xf32, #tpu.memory_space<vmem_shared>> -> memref<32x128xf32, #tpu.memory_space<vmem_shared>>
        tpu.enqueue_dma source(%arg20 : memref<32x128xf32, #tpu.memory_space<vmem>>) target(%dma_start3A_109 : memref<32x128xf32, #tpu.memory_space<vmem_shared>>) target_semaphore(%run_scoped3A : memref<!tpu.dma_semaphore, #tpu.memory_space<semaphore_mem>>)
        %dma_wait3A = arith.constant 0 : i32
        %dma_wait3A_110 = tpu.memref_slice %arg22[%add3A_34, %dma_wait3A] : memref<5128x128xf32, #tpu.memory_space<vmem_shared>> -> memref<32x128xf32, #tpu.memory_space<vmem_shared>>
        %dma_wait3A_111 = arith.constant 0 : i32
        %dma_wait3A_112 = tpu.memref_slice %arg22[%add3A_34, %dma_wait3A_111] : memref<5128x128xf32, #tpu.memory_space<vmem_shared>> -> memref<32x128xf32, #tpu.memory_space<vmem_shared>>
        tpu.wait_dma2 semaphore(%run_scoped3A : memref<!tpu.dma_semaphore, #tpu.memory_space<semaphore_mem>>) src(%arg20 : memref<32x128xf32, #tpu.memory_space<vmem>>) dst(%dma_wait3A_112 : memref<32x128xf32, #tpu.memory_space<vmem_shared>>)
        tpu.yield
      }) : () -> ()
      "tpu.region"() ({
        %run_scoped3A = tpu.sem_alloc : memref<!tpu.dma_semaphore, #tpu.memory_space<semaphore_mem>>
        %dma_start3A = arith.constant 0 : i32
        %dma_start3A_107 = tpu.memref_slice %arg23[%add3A_34, %dma_start3A] : memref<5128x128xf32, #tpu.memory_space<vmem_shared>> -> memref<32x128xf32, #tpu.memory_space<vmem_shared>>
        %dma_start3A_108 = arith.constant 0 : i32
        %dma_start3A_109 = tpu.memref_slice %arg23[%add3A_34, %dma_start3A_108] : memref<5128x128xf32, #tpu.memory_space<vmem_shared>> -> memref<32x128xf32, #tpu.memory_space<vmem_shared>>
        tpu.enqueue_dma source(%arg20 : memref<32x128xf32, #tpu.memory_space<vmem>>) target(%dma_start3A_109 : memref<32x128xf32, #tpu.memory_space<vmem_shared>>) target_semaphore(%run_scoped3A : memref<!tpu.dma_semaphore, #tpu.memory_space<semaphore_mem>>)
        %dma_wait3A = arith.constant 0 : i32
        %dma_wait3A_110 = tpu.memref_slice %arg23[%add3A_34, %dma_wait3A] : memref<5128x128xf32, #tpu.memory_space<vmem_shared>> -> memref<32x128xf32, #tpu.memory_space<vmem_shared>>
        %dma_wait3A_111 = arith.constant 0 : i32
        %dma_wait3A_112 = tpu.memref_slice %arg23[%add3A_34, %dma_wait3A_111] : memref<5128x128xf32, #tpu.memory_space<vmem_shared>> -> memref<32x128xf32, #tpu.memory_space<vmem_shared>>
        tpu.wait_dma2 semaphore(%run_scoped3A : memref<!tpu.dma_semaphore, #tpu.memory_space<semaphore_mem>>) src(%arg20 : memref<32x128xf32, #tpu.memory_space<vmem>>) dst(%dma_wait3A_112 : memref<32x128xf32, #tpu.memory_space<vmem_shared>>)
        tpu.yield
      }) : () -> ()
      %mul3A_35 = arith.constant 320 : i32
      %mul3A_36 = arith.muli %arg1, %mul3A_35 : i32
      %add3A_37 = arith.constant 160 : i32
      %add3A_38 = arith.addi %mul3A_36, %add3A_37 : i32
      "tpu.region"() ({
        %run_scoped3A = tpu.sem_alloc : memref<!tpu.dma_semaphore, #tpu.memory_space<semaphore_mem>>
        %dma_start3A = arith.constant 0 : i32
        %dma_start3A_107 = tpu.memref_slice %arg22[%add3A_38, %dma_start3A] : memref<5128x128xf32, #tpu.memory_space<vmem_shared>> -> memref<32x128xf32, #tpu.memory_space<vmem_shared>>
        %dma_start3A_108 = arith.constant 0 : i32
        %dma_start3A_109 = tpu.memref_slice %arg22[%add3A_38, %dma_start3A_108] : memref<5128x128xf32, #tpu.memory_space<vmem_shared>> -> memref<32x128xf32, #tpu.memory_space<vmem_shared>>
        tpu.enqueue_dma source(%arg20 : memref<32x128xf32, #tpu.memory_space<vmem>>) target(%dma_start3A_109 : memref<32x128xf32, #tpu.memory_space<vmem_shared>>) target_semaphore(%run_scoped3A : memref<!tpu.dma_semaphore, #tpu.memory_space<semaphore_mem>>)
        %dma_wait3A = arith.constant 0 : i32
        %dma_wait3A_110 = tpu.memref_slice %arg22[%add3A_38, %dma_wait3A] : memref<5128x128xf32, #tpu.memory_space<vmem_shared>> -> memref<32x128xf32, #tpu.memory_space<vmem_shared>>
        %dma_wait3A_111 = arith.constant 0 : i32
        %dma_wait3A_112 = tpu.memref_slice %arg22[%add3A_38, %dma_wait3A_111] : memref<5128x128xf32, #tpu.memory_space<vmem_shared>> -> memref<32x128xf32, #tpu.memory_space<vmem_shared>>
        tpu.wait_dma2 semaphore(%run_scoped3A : memref<!tpu.dma_semaphore, #tpu.memory_space<semaphore_mem>>) src(%arg20 : memref<32x128xf32, #tpu.memory_space<vmem>>) dst(%dma_wait3A_112 : memref<32x128xf32, #tpu.memory_space<vmem_shared>>)
        tpu.yield
      }) : () -> ()
      "tpu.region"() ({
        %run_scoped3A = tpu.sem_alloc : memref<!tpu.dma_semaphore, #tpu.memory_space<semaphore_mem>>
        %dma_start3A = arith.constant 0 : i32
        %dma_start3A_107 = tpu.memref_slice %arg23[%add3A_38, %dma_start3A] : memref<5128x128xf32, #tpu.memory_space<vmem_shared>> -> memref<32x128xf32, #tpu.memory_space<vmem_shared>>
        %dma_start3A_108 = arith.constant 0 : i32
        %dma_start3A_109 = tpu.memref_slice %arg23[%add3A_38, %dma_start3A_108] : memref<5128x128xf32, #tpu.memory_space<vmem_shared>> -> memref<32x128xf32, #tpu.memory_space<vmem_shared>>
        tpu.enqueue_dma source(%arg20 : memref<32x128xf32, #tpu.memory_space<vmem>>) target(%dma_start3A_109 : memref<32x128xf32, #tpu.memory_space<vmem_shared>>) target_semaphore(%run_scoped3A : memref<!tpu.dma_semaphore, #tpu.memory_space<semaphore_mem>>)
        %dma_wait3A = arith.constant 0 : i32
        %dma_wait3A_110 = tpu.memref_slice %arg23[%add3A_38, %dma_wait3A] : memref<5128x128xf32, #tpu.memory_space<vmem_shared>> -> memref<32x128xf32, #tpu.memory_space<vmem_shared>>
        %dma_wait3A_111 = arith.constant 0 : i32
        %dma_wait3A_112 = tpu.memref_slice %arg23[%add3A_38, %dma_wait3A_111] : memref<5128x128xf32, #tpu.memory_space<vmem_shared>> -> memref<32x128xf32, #tpu.memory_space<vmem_shared>>
        tpu.wait_dma2 semaphore(%run_scoped3A : memref<!tpu.dma_semaphore, #tpu.memory_space<semaphore_mem>>) src(%arg20 : memref<32x128xf32, #tpu.memory_space<vmem>>) dst(%dma_wait3A_112 : memref<32x128xf32, #tpu.memory_space<vmem_shared>>)
        tpu.yield
      }) : () -> ()
      %mul3A_39 = arith.constant 320 : i32
      %mul3A_40 = arith.muli %arg1, %mul3A_39 : i32
      %add3A_41 = arith.constant 192 : i32
      %add3A_42 = arith.addi %mul3A_40, %add3A_41 : i32
      "tpu.region"() ({
        %run_scoped3A = tpu.sem_alloc : memref<!tpu.dma_semaphore, #tpu.memory_space<semaphore_mem>>
        %dma_start3A = arith.constant 0 : i32
        %dma_start3A_107 = tpu.memref_slice %arg22[%add3A_42, %dma_start3A] : memref<5128x128xf32, #tpu.memory_space<vmem_shared>> -> memref<32x128xf32, #tpu.memory_space<vmem_shared>>
        %dma_start3A_108 = arith.constant 0 : i32
        %dma_start3A_109 = tpu.memref_slice %arg22[%add3A_42, %dma_start3A_108] : memref<5128x128xf32, #tpu.memory_space<vmem_shared>> -> memref<32x128xf32, #tpu.memory_space<vmem_shared>>
        tpu.enqueue_dma source(%arg20 : memref<32x128xf32, #tpu.memory_space<vmem>>) target(%dma_start3A_109 : memref<32x128xf32, #tpu.memory_space<vmem_shared>>) target_semaphore(%run_scoped3A : memref<!tpu.dma_semaphore, #tpu.memory_space<semaphore_mem>>)
        %dma_wait3A = arith.constant 0 : i32
        %dma_wait3A_110 = tpu.memref_slice %arg22[%add3A_42, %dma_wait3A] : memref<5128x128xf32, #tpu.memory_space<vmem_shared>> -> memref<32x128xf32, #tpu.memory_space<vmem_shared>>
        %dma_wait3A_111 = arith.constant 0 : i32
        %dma_wait3A_112 = tpu.memref_slice %arg22[%add3A_42, %dma_wait3A_111] : memref<5128x128xf32, #tpu.memory_space<vmem_shared>> -> memref<32x128xf32, #tpu.memory_space<vmem_shared>>
        tpu.wait_dma2 semaphore(%run_scoped3A : memref<!tpu.dma_semaphore, #tpu.memory_space<semaphore_mem>>) src(%arg20 : memref<32x128xf32, #tpu.memory_space<vmem>>) dst(%dma_wait3A_112 : memref<32x128xf32, #tpu.memory_space<vmem_shared>>)
        tpu.yield
      }) : () -> ()
      "tpu.region"() ({
        %run_scoped3A = tpu.sem_alloc : memref<!tpu.dma_semaphore, #tpu.memory_space<semaphore_mem>>
        %dma_start3A = arith.constant 0 : i32
        %dma_start3A_107 = tpu.memref_slice %arg23[%add3A_42, %dma_start3A] : memref<5128x128xf32, #tpu.memory_space<vmem_shared>> -> memref<32x128xf32, #tpu.memory_space<vmem_shared>>
        %dma_start3A_108 = arith.constant 0 : i32
        %dma_start3A_109 = tpu.memref_slice %arg23[%add3A_42, %dma_start3A_108] : memref<5128x128xf32, #tpu.memory_space<vmem_shared>> -> memref<32x128xf32, #tpu.memory_space<vmem_shared>>
        tpu.enqueue_dma source(%arg20 : memref<32x128xf32, #tpu.memory_space<vmem>>) target(%dma_start3A_109 : memref<32x128xf32, #tpu.memory_space<vmem_shared>>) target_semaphore(%run_scoped3A : memref<!tpu.dma_semaphore, #tpu.memory_space<semaphore_mem>>)
        %dma_wait3A = arith.constant 0 : i32
        %dma_wait3A_110 = tpu.memref_slice %arg23[%add3A_42, %dma_wait3A] : memref<5128x128xf32, #tpu.memory_space<vmem_shared>> -> memref<32x128xf32, #tpu.memory_space<vmem_shared>>
        %dma_wait3A_111 = arith.constant 0 : i32
        %dma_wait3A_112 = tpu.memref_slice %arg23[%add3A_42, %dma_wait3A_111] : memref<5128x128xf32, #tpu.memory_space<vmem_shared>> -> memref<32x128xf32, #tpu.memory_space<vmem_shared>>
        tpu.wait_dma2 semaphore(%run_scoped3A : memref<!tpu.dma_semaphore, #tpu.memory_space<semaphore_mem>>) src(%arg20 : memref<32x128xf32, #tpu.memory_space<vmem>>) dst(%dma_wait3A_112 : memref<32x128xf32, #tpu.memory_space<vmem_shared>>)
        tpu.yield
      }) : () -> ()
      %mul3A_43 = arith.constant 320 : i32
      %mul3A_44 = arith.muli %arg1, %mul3A_43 : i32
      %add3A_45 = arith.constant 224 : i32
      %add3A_46 = arith.addi %mul3A_44, %add3A_45 : i32
      "tpu.region"() ({
        %run_scoped3A = tpu.sem_alloc : memref<!tpu.dma_semaphore, #tpu.memory_space<semaphore_mem>>
        %dma_start3A = arith.constant 0 : i32
        %dma_start3A_107 = tpu.memref_slice %arg22[%add3A_46, %dma_start3A] : memref<5128x128xf32, #tpu.memory_space<vmem_shared>> -> memref<32x128xf32, #tpu.memory_space<vmem_shared>>
        %dma_start3A_108 = arith.constant 0 : i32
        %dma_start3A_109 = tpu.memref_slice %arg22[%add3A_46, %dma_start3A_108] : memref<5128x128xf32, #tpu.memory_space<vmem_shared>> -> memref<32x128xf32, #tpu.memory_space<vmem_shared>>
        tpu.enqueue_dma source(%arg20 : memref<32x128xf32, #tpu.memory_space<vmem>>) target(%dma_start3A_109 : memref<32x128xf32, #tpu.memory_space<vmem_shared>>) target_semaphore(%run_scoped3A : memref<!tpu.dma_semaphore, #tpu.memory_space<semaphore_mem>>)
        %dma_wait3A = arith.constant 0 : i32
        %dma_wait3A_110 = tpu.memref_slice %arg22[%add3A_46, %dma_wait3A] : memref<5128x128xf32, #tpu.memory_space<vmem_shared>> -> memref<32x128xf32, #tpu.memory_space<vmem_shared>>
        %dma_wait3A_111 = arith.constant 0 : i32
        %dma_wait3A_112 = tpu.memref_slice %arg22[%add3A_46, %dma_wait3A_111] : memref<5128x128xf32, #tpu.memory_space<vmem_shared>> -> memref<32x128xf32, #tpu.memory_space<vmem_shared>>
        tpu.wait_dma2 semaphore(%run_scoped3A : memref<!tpu.dma_semaphore, #tpu.memory_space<semaphore_mem>>) src(%arg20 : memref<32x128xf32, #tpu.memory_space<vmem>>) dst(%dma_wait3A_112 : memref<32x128xf32, #tpu.memory_space<vmem_shared>>)
        tpu.yield
      }) : () -> ()
      "tpu.region"() ({
        %run_scoped3A = tpu.sem_alloc : memref<!tpu.dma_semaphore, #tpu.memory_space<semaphore_mem>>
        %dma_start3A = arith.constant 0 : i32
        %dma_start3A_107 = tpu.memref_slice %arg23[%add3A_46, %dma_start3A] : memref<5128x128xf32, #tpu.memory_space<vmem_shared>> -> memref<32x128xf32, #tpu.memory_space<vmem_shared>>
        %dma_start3A_108 = arith.constant 0 : i32
        %dma_start3A_109 = tpu.memref_slice %arg23[%add3A_46, %dma_start3A_108] : memref<5128x128xf32, #tpu.memory_space<vmem_shared>> -> memref<32x128xf32, #tpu.memory_space<vmem_shared>>
        tpu.enqueue_dma source(%arg20 : memref<32x128xf32, #tpu.memory_space<vmem>>) target(%dma_start3A_109 : memref<32x128xf32, #tpu.memory_space<vmem_shared>>) target_semaphore(%run_scoped3A : memref<!tpu.dma_semaphore, #tpu.memory_space<semaphore_mem>>)
        %dma_wait3A = arith.constant 0 : i32
        %dma_wait3A_110 = tpu.memref_slice %arg23[%add3A_46, %dma_wait3A] : memref<5128x128xf32, #tpu.memory_space<vmem_shared>> -> memref<32x128xf32, #tpu.memory_space<vmem_shared>>
        %dma_wait3A_111 = arith.constant 0 : i32
        %dma_wait3A_112 = tpu.memref_slice %arg23[%add3A_46, %dma_wait3A_111] : memref<5128x128xf32, #tpu.memory_space<vmem_shared>> -> memref<32x128xf32, #tpu.memory_space<vmem_shared>>
        tpu.wait_dma2 semaphore(%run_scoped3A : memref<!tpu.dma_semaphore, #tpu.memory_space<semaphore_mem>>) src(%arg20 : memref<32x128xf32, #tpu.memory_space<vmem>>) dst(%dma_wait3A_112 : memref<32x128xf32, #tpu.memory_space<vmem_shared>>)
        tpu.yield
      }) : () -> ()
      %mul3A_47 = arith.constant 320 : i32
      %mul3A_48 = arith.muli %arg1, %mul3A_47 : i32
      %add3A_49 = arith.constant 256 : i32
      %add3A_50 = arith.addi %mul3A_48, %add3A_49 : i32
      "tpu.region"() ({
        %run_scoped3A = tpu.sem_alloc : memref<!tpu.dma_semaphore, #tpu.memory_space<semaphore_mem>>
        %dma_start3A = arith.constant 0 : i32
        %dma_start3A_107 = tpu.memref_slice %arg22[%add3A_50, %dma_start3A] : memref<5128x128xf32, #tpu.memory_space<vmem_shared>> -> memref<32x128xf32, #tpu.memory_space<vmem_shared>>
        %dma_start3A_108 = arith.constant 0 : i32
        %dma_start3A_109 = tpu.memref_slice %arg22[%add3A_50, %dma_start3A_108] : memref<5128x128xf32, #tpu.memory_space<vmem_shared>> -> memref<32x128xf32, #tpu.memory_space<vmem_shared>>
        tpu.enqueue_dma source(%arg20 : memref<32x128xf32, #tpu.memory_space<vmem>>) target(%dma_start3A_109 : memref<32x128xf32, #tpu.memory_space<vmem_shared>>) target_semaphore(%run_scoped3A : memref<!tpu.dma_semaphore, #tpu.memory_space<semaphore_mem>>)
        %dma_wait3A = arith.constant 0 : i32
        %dma_wait3A_110 = tpu.memref_slice %arg22[%add3A_50, %dma_wait3A] : memref<5128x128xf32, #tpu.memory_space<vmem_shared>> -> memref<32x128xf32, #tpu.memory_space<vmem_shared>>
        %dma_wait3A_111 = arith.constant 0 : i32
        %dma_wait3A_112 = tpu.memref_slice %arg22[%add3A_50, %dma_wait3A_111] : memref<5128x128xf32, #tpu.memory_space<vmem_shared>> -> memref<32x128xf32, #tpu.memory_space<vmem_shared>>
        tpu.wait_dma2 semaphore(%run_scoped3A : memref<!tpu.dma_semaphore, #tpu.memory_space<semaphore_mem>>) src(%arg20 : memref<32x128xf32, #tpu.memory_space<vmem>>) dst(%dma_wait3A_112 : memref<32x128xf32, #tpu.memory_space<vmem_shared>>)
        tpu.yield
      }) : () -> ()
      "tpu.region"() ({
        %run_scoped3A = tpu.sem_alloc : memref<!tpu.dma_semaphore, #tpu.memory_space<semaphore_mem>>
        %dma_start3A = arith.constant 0 : i32
        %dma_start3A_107 = tpu.memref_slice %arg23[%add3A_50, %dma_start3A] : memref<5128x128xf32, #tpu.memory_space<vmem_shared>> -> memref<32x128xf32, #tpu.memory_space<vmem_shared>>
        %dma_start3A_108 = arith.constant 0 : i32
        %dma_start3A_109 = tpu.memref_slice %arg23[%add3A_50, %dma_start3A_108] : memref<5128x128xf32, #tpu.memory_space<vmem_shared>> -> memref<32x128xf32, #tpu.memory_space<vmem_shared>>
        tpu.enqueue_dma source(%arg20 : memref<32x128xf32, #tpu.memory_space<vmem>>) target(%dma_start3A_109 : memref<32x128xf32, #tpu.memory_space<vmem_shared>>) target_semaphore(%run_scoped3A : memref<!tpu.dma_semaphore, #tpu.memory_space<semaphore_mem>>)
        %dma_wait3A = arith.constant 0 : i32
        %dma_wait3A_110 = tpu.memref_slice %arg23[%add3A_50, %dma_wait3A] : memref<5128x128xf32, #tpu.memory_space<vmem_shared>> -> memref<32x128xf32, #tpu.memory_space<vmem_shared>>
        %dma_wait3A_111 = arith.constant 0 : i32
        %dma_wait3A_112 = tpu.memref_slice %arg23[%add3A_50, %dma_wait3A_111] : memref<5128x128xf32, #tpu.memory_space<vmem_shared>> -> memref<32x128xf32, #tpu.memory_space<vmem_shared>>
        tpu.wait_dma2 semaphore(%run_scoped3A : memref<!tpu.dma_semaphore, #tpu.memory_space<semaphore_mem>>) src(%arg20 : memref<32x128xf32, #tpu.memory_space<vmem>>) dst(%dma_wait3A_112 : memref<32x128xf32, #tpu.memory_space<vmem_shared>>)
        tpu.yield
      }) : () -> ()
      %mul3A_51 = arith.constant 320 : i32
      %mul3A_52 = arith.muli %arg1, %mul3A_51 : i32
      %add3A_53 = arith.constant 288 : i32
      %add3A_54 = arith.addi %mul3A_52, %add3A_53 : i32
      "tpu.region"() ({
        %run_scoped3A = tpu.sem_alloc : memref<!tpu.dma_semaphore, #tpu.memory_space<semaphore_mem>>
        %dma_start3A = arith.constant 0 : i32
        %dma_start3A_107 = tpu.memref_slice %arg22[%add3A_54, %dma_start3A] : memref<5128x128xf32, #tpu.memory_space<vmem_shared>> -> memref<32x128xf32, #tpu.memory_space<vmem_shared>>
        %dma_start3A_108 = arith.constant 0 : i32
        %dma_start3A_109 = tpu.memref_slice %arg22[%add3A_54, %dma_start3A_108] : memref<5128x128xf32, #tpu.memory_space<vmem_shared>> -> memref<32x128xf32, #tpu.memory_space<vmem_shared>>
        tpu.enqueue_dma source(%arg20 : memref<32x128xf32, #tpu.memory_space<vmem>>) target(%dma_start3A_109 : memref<32x128xf32, #tpu.memory_space<vmem_shared>>) target_semaphore(%run_scoped3A : memref<!tpu.dma_semaphore, #tpu.memory_space<semaphore_mem>>)
        %dma_wait3A = arith.constant 0 : i32
        %dma_wait3A_110 = tpu.memref_slice %arg22[%add3A_54, %dma_wait3A] : memref<5128x128xf32, #tpu.memory_space<vmem_shared>> -> memref<32x128xf32, #tpu.memory_space<vmem_shared>>
        %dma_wait3A_111 = arith.constant 0 : i32
        %dma_wait3A_112 = tpu.memref_slice %arg22[%add3A_54, %dma_wait3A_111] : memref<5128x128xf32, #tpu.memory_space<vmem_shared>> -> memref<32x128xf32, #tpu.memory_space<vmem_shared>>
        tpu.wait_dma2 semaphore(%run_scoped3A : memref<!tpu.dma_semaphore, #tpu.memory_space<semaphore_mem>>) src(%arg20 : memref<32x128xf32, #tpu.memory_space<vmem>>) dst(%dma_wait3A_112 : memref<32x128xf32, #tpu.memory_space<vmem_shared>>)
        tpu.yield
      }) : () -> ()
      "tpu.region"() ({
        %run_scoped3A = tpu.sem_alloc : memref<!tpu.dma_semaphore, #tpu.memory_space<semaphore_mem>>
        %dma_start3A = arith.constant 0 : i32
        %dma_start3A_107 = tpu.memref_slice %arg23[%add3A_54, %dma_start3A] : memref<5128x128xf32, #tpu.memory_space<vmem_shared>> -> memref<32x128xf32, #tpu.memory_space<vmem_shared>>
        %dma_start3A_108 = arith.constant 0 : i32
        %dma_start3A_109 = tpu.memref_slice %arg23[%add3A_54, %dma_start3A_108] : memref<5128x128xf32, #tpu.memory_space<vmem_shared>> -> memref<32x128xf32, #tpu.memory_space<vmem_shared>>
        tpu.enqueue_dma source(%arg20 : memref<32x128xf32, #tpu.memory_space<vmem>>) target(%dma_start3A_109 : memref<32x128xf32, #tpu.memory_space<vmem_shared>>) target_semaphore(%run_scoped3A : memref<!tpu.dma_semaphore, #tpu.memory_space<semaphore_mem>>)
        %dma_wait3A = arith.constant 0 : i32
        %dma_wait3A_110 = tpu.memref_slice %arg23[%add3A_54, %dma_wait3A] : memref<5128x128xf32, #tpu.memory_space<vmem_shared>> -> memref<32x128xf32, #tpu.memory_space<vmem_shared>>
        %dma_wait3A_111 = arith.constant 0 : i32
        %dma_wait3A_112 = tpu.memref_slice %arg23[%add3A_54, %dma_wait3A_111] : memref<5128x128xf32, #tpu.memory_space<vmem_shared>> -> memref<32x128xf32, #tpu.memory_space<vmem_shared>>
        tpu.wait_dma2 semaphore(%run_scoped3A : memref<!tpu.dma_semaphore, #tpu.memory_space<semaphore_mem>>) src(%arg20 : memref<32x128xf32, #tpu.memory_space<vmem>>) dst(%dma_wait3A_112 : memref<32x128xf32, #tpu.memory_space<vmem_shared>>)
        tpu.yield
      }) : () -> ()
      %barrier3A = arith.constant 0 : index
      tpu.barrier barrier_id(%barrier3A)
      %scan3A_55 = arith.constant 0 : i32
      %scan3A_56 = arith.constant 0 : i32
      %scan3A_57 = arith.constant 392 : i32
      %scan3A_58 = arith.addi %scan3A_56, %scan3A_57 : i32
      %scan3A_59 = arith.constant 1 : i32
      %scan3A_60 = scf.for %scan3A_107 = %scan3A_56 to %scan3A_58 step %scan3A_59 iter_args(%scan3A_108 = %scan3A_55) -> (i32)  : i32 {
        %mul3A_109 = arith.constant 16 : i32
        %mul3A_110 = arith.muli %scan3A_107, %mul3A_109 : i32
        %multiple_of3A = tpu.assume_multiple %mul3A_110, 16 : i32
        %iota3A_111 = tpu.iota {dimensions = array<i32: 0>} : vector<16xi32>
        %add3A_112 = vector.broadcast %multiple_of3A : i32 to vector<16xi32>
        %add3A_113 = arith.addi %iota3A_111, %add3A_112 : vector<16xi32>
        %get3A = arith.index_cast %multiple_of3A : i32 to index
        %get3A_114 = tpu.vector_load %arg10[%get3A] {strides = array<i32>} : memref<6272xi32, #tpu.memory_space<vmem>>, vector<16xi32>,
        %ge3A = vector.broadcast %mul3A_14 : i32 to vector<16xi32>
        %ge3A_115 = arith.cmpi sge, %get3A_114, %ge3A : vector<16xi32>
        %add3A_116 = arith.constant 5120 : i32
        %add3A_117 = arith.addi %mul3A_14, %add3A_116 : i32
        %lt3A = vector.broadcast %add3A_117 : i32 to vector<16xi32>
        %lt3A_118 = arith.cmpi slt, %get3A_114, %lt3A : vector<16xi32>
        %and3A_119 = arith.andi %ge3A_115, %lt3A_118 : vector<16xi1>
        %add3A_120 = arith.constant 16 : i32
        %add3A_121 = vector.broadcast %add3A_120 : i32 to vector<16xi32>
        %add3A_122 = arith.addi %iota3A_111, %add3A_121 : vector<16xi32>
        %select_n3A_123 = arith.select %and3A_119, %iota3A_111, %add3A_122 : vector<16xi1>, vector<16xi32>
        %masked_sort3A = arith.constant dense<true> : vector<16xi1>
        %masked_sort3A_124 = arith.constant -2147483648 : i32
        %masked_sort3A_125 = vector.broadcast %masked_sort3A_124 : i32 to vector<16xi32>
        %masked_sort3A_126 = arith.xori %select_n3A_123, %masked_sort3A_125 : vector<16xi32>
        %masked_sort3A_127, %masked_sort3A_128, %masked_sort3A_129 = tpu.sort %masked_sort3A_126, %add3A_113 masked %masked_sort3A : (vector<16xi32>, vector<16xi32>, vector<16xi1>) -> (vector<16xi1>, vector<16xi32>, vector<16xi32>)
        %masked_sort3A_130 = arith.xori %masked_sort3A_128, %masked_sort3A_125 : vector<16xi32>
        %swap3A = arith.index_cast %scan3A_108 : i32 to index
        %swap3A_131 = tpu.vector_load %arg12[%swap3A] {strides = array<i32>} : memref<6320xi32, #tpu.memory_space<vmem>>, vector<16xi32>,
        tpu.vector_store %arg12[%swap3A], %masked_sort3A_129 {strides = array<i32>} : memref<6320xi32, #tpu.memory_space<vmem>>, vector<16xi32>,
        %all_reduce_population_count3A = tpu.all_reduce %and3A_119 {dim = 0 : i64, kind = #tpu.reduction_kind<sum>} : vector<16xi1> -> vector<16xi32>
        %slice3A = vector.extract_strided_slice %all_reduce_population_count3A {offsets = [0], sizes = [1], strides = [1]} : vector<16xi32> to vector<1xi32>
        %squeeze3A = vector.extract %slice3A[0] : i32 from vector<1xi32>
        %add3A_132 = arith.addi %scan3A_108, %squeeze3A : i32
        scf.yield %add3A_132 : i32
      }
      %scan3A_61 = arith.constant 392 : i32
      %add3A_62 = arith.constant 0 : i32
      %add3A_63 = arith.addi %scan3A_60, %add3A_62 : i32
      %iota3A = tpu.iota {dimensions = array<i32: 0>} : vector<16xi32>
      %add3A_64 = vector.broadcast %add3A_63 : i32 to vector<16xi32>
      %add3A_65 = arith.addi %add3A_64, %iota3A : vector<16xi32>
      %broadcast_in_dim3A = arith.constant 6271 : i32
      %broadcast_in_dim3A_66 = vector.broadcast %broadcast_in_dim3A : i32 to vector<16xi32>
      tpu.vector_store_idx %arg12[%add3A_65], %broadcast_in_dim3A_66 : memref<6320xi32, #tpu.memory_space<vmem>>[vector<16xi32>], vector<16xi32>,
      %add3A_67 = arith.constant 16 : i32
      %add3A_68 = arith.addi %scan3A_60, %add3A_67 : i32
      %iota3A_69 = tpu.iota {dimensions = array<i32: 0>} : vector<16xi32>
      %add3A_70 = vector.broadcast %add3A_68 : i32 to vector<16xi32>
      %add3A_71 = arith.addi %add3A_70, %iota3A_69 : vector<16xi32>
      %broadcast_in_dim3A_72 = arith.constant 6271 : i32
      %broadcast_in_dim3A_73 = vector.broadcast %broadcast_in_dim3A_72 : i32 to vector<16xi32>
      tpu.vector_store_idx %arg12[%add3A_71], %broadcast_in_dim3A_73 : memref<6320xi32, #tpu.memory_space<vmem>>[vector<16xi32>], vector<16xi32>,
      %add3A_74 = arith.constant 31 : i32
      %add3A_75 = arith.addi %scan3A_60, %add3A_74 : i32
      %jit3A = arith.constant 32 : i32
      %div3A = arith.divsi %add3A_75, %jit3A : i32
      %sign3A = arith.constant 0 : i32
      %sign3A_76 = arith.cmpi sgt, %add3A_75, %sign3A : i32
      %sign3A_77 = arith.extui %sign3A_76 : i1 to i32
      %sign3A_78 = arith.constant 0 : i32
      %sign3A_79 = arith.cmpi slt, %add3A_75, %sign3A_78 : i32
      %sign3A_80 = arith.extui %sign3A_79 : i1 to i32
      %sign3A_81 = arith.subi %sign3A_77, %sign3A_80 : i32
      %sign3A_82 = arith.constant 0 : i32
      %sign3A_83 = arith.cmpi sgt, %jit3A, %sign3A_82 : i32
      %sign3A_84 = arith.extui %sign3A_83 : i1 to i32
      %sign3A_85 = arith.constant 0 : i32
      %sign3A_86 = arith.cmpi slt, %jit3A, %sign3A_85 : i32
      %sign3A_87 = arith.extui %sign3A_86 : i1 to i32
      %sign3A_88 = arith.subi %sign3A_84, %sign3A_87 : i32
      %ne3A = arith.cmpi ne, %sign3A_81, %sign3A_88 : i32
      %rem3A = arith.remsi %add3A_75, %jit3A : i32
      %ne3A_89 = arith.constant 0 : i32
      %ne3A_90 = arith.cmpi ne, %rem3A, %ne3A_89 : i32
      %and3A = arith.andi %ne3A, %ne3A_90 : i1
      %sub3A = arith.constant 1 : i32
      %sub3A_91 = arith.subi %div3A, %sub3A : i32
      %select_n3A = arith.select %and3A, %sub3A_91, %div3A : i32
      %while3A = arith.constant 0 : i32
      %while3A_92 = arith.constant 0 : i32
      %while3A_93 = arith.subi %select_n3A, %while3A_92 : i32
      %while3A_94 = arith.addi %while3A_92, %while3A_93 : i32
      %while3A_95 = arith.constant 1 : i32
      %while3A_96 = arith.divsi %while3A_93, %while3A_95 : i32
      %while3A_97 = arith.muli %while3A_96, %while3A_95 : i32
      %while3A_98 = arith.addi %while3A_92, %while3A_97 : i32
      %while3A_99 = arith.constant 1 : i32
      scf.for %while3A_107 = %while3A_92 to %while3A_98 step %while3A_99  : i32 {
        %mul3A_108 = arith.constant 32 : i32
        %mul3A_109 = arith.muli %while3A_107, %mul3A_108 : i32
        %multiple_of3A = tpu.assume_multiple %mul3A_109, 32 : i32
        %add3A_110 = arith.constant 0 : i32
        %add3A_111 = arith.addi %multiple_of3A, %add3A_110 : i32
        %get3A = arith.index_cast %add3A_111 : i32 to index
        %get3A_112 = tpu.vector_load %arg12[%get3A] {strides = array<i32>} : memref<6320xi32, #tpu.memory_space<vmem>>, vector<16xi32>,
        %gather3A = tpu.vector_load_idx %arg11[%get3A_112] : memref<6272xi32, #tpu.memory_space<vmem>>[vector<16xi32>], vector<16xi32>,
        %gather3A_113 = tpu.vector_load_idx %arg10[%get3A_112] : memref<6272xi32, #tpu.memory_space<vmem>>[vector<16xi32>], vector<16xi32>,
        %swap3A = arith.constant 0 : index
        %swap3A_114 = tpu.vector_load %arg13[%swap3A] {strides = array<i32>} : memref<32xi32, #tpu.memory_space<vmem>>, vector<16xi32>,
        tpu.vector_store %arg13[%swap3A], %gather3A {strides = array<i32>} : memref<32xi32, #tpu.memory_space<vmem>>, vector<16xi32>,
        %min3A = arith.constant 99999 : i32
        %min3A_115 = vector.broadcast %min3A : i32 to vector<16xi32>
        %min3A_116 = arith.minsi %gather3A_113, %min3A_115 : vector<16xi32>
        %swap3A_117 = arith.constant 0 : index
        %swap3A_118 = tpu.vector_load %arg14[%swap3A_117] {strides = array<i32>} : memref<32xi32, #tpu.memory_space<vmem>>, vector<16xi32>,
        tpu.vector_store %arg14[%swap3A_117], %min3A_116 {strides = array<i32>} : memref<32xi32, #tpu.memory_space<vmem>>, vector<16xi32>,
        %sub3A_119 = vector.broadcast %mul3A_14 : i32 to vector<16xi32>
        %sub3A_120 = arith.subi %gather3A_113, %sub3A_119 : vector<16xi32>
        %jit3A_121 = arith.constant 0 : i32
        %jit3A_122 = arith.constant 5120 : i32
        %max3A = vector.broadcast %jit3A_121 : i32 to vector<16xi32>
        %max3A_123 = arith.maxsi %max3A, %sub3A_120 : vector<16xi32>
        %min3A_124 = vector.broadcast %jit3A_122 : i32 to vector<16xi32>
        %min3A_125 = arith.minsi %min3A_124, %max3A_123 : vector<16xi32>
        %swap3A_126 = arith.constant 0 : index
        %swap3A_127 = tpu.vector_load %arg15[%swap3A_126] {strides = array<i32>} : memref<32xi32, #tpu.memory_space<vmem>>, vector<16xi32>,
        tpu.vector_store %arg15[%swap3A_126], %min3A_125 {strides = array<i32>} : memref<32xi32, #tpu.memory_space<vmem>>, vector<16xi32>,
        %add3A_128 = arith.constant 16 : i32
        %add3A_129 = arith.addi %multiple_of3A, %add3A_128 : i32
        %get3A_130 = arith.index_cast %add3A_129 : i32 to index
        %get3A_131 = tpu.vector_load %arg12[%get3A_130] {strides = array<i32>} : memref<6320xi32, #tpu.memory_space<vmem>>, vector<16xi32>,
        %gather3A_132 = tpu.vector_load_idx %arg11[%get3A_131] : memref<6272xi32, #tpu.memory_space<vmem>>[vector<16xi32>], vector<16xi32>,
        %gather3A_133 = tpu.vector_load_idx %arg10[%get3A_131] : memref<6272xi32, #tpu.memory_space<vmem>>[vector<16xi32>], vector<16xi32>,
        %swap3A_134 = arith.constant 16 : index
        %swap3A_135 = tpu.vector_load %arg13[%swap3A_134] {strides = array<i32>} : memref<32xi32, #tpu.memory_space<vmem>>, vector<16xi32>,
        tpu.vector_store %arg13[%swap3A_134], %gather3A_132 {strides = array<i32>} : memref<32xi32, #tpu.memory_space<vmem>>, vector<16xi32>,
        %min3A_136 = arith.constant 99999 : i32
        %min3A_137 = vector.broadcast %min3A_136 : i32 to vector<16xi32>
        %min3A_138 = arith.minsi %gather3A_133, %min3A_137 : vector<16xi32>
        %swap3A_139 = arith.constant 16 : index
        %swap3A_140 = tpu.vector_load %arg14[%swap3A_139] {strides = array<i32>} : memref<32xi32, #tpu.memory_space<vmem>>, vector<16xi32>,
        tpu.vector_store %arg14[%swap3A_139], %min3A_138 {strides = array<i32>} : memref<32xi32, #tpu.memory_space<vmem>>, vector<16xi32>,
        %sub3A_141 = vector.broadcast %mul3A_14 : i32 to vector<16xi32>
        %sub3A_142 = arith.subi %gather3A_133, %sub3A_141 : vector<16xi32>
        %jit3A_143 = arith.constant 0 : i32
        %jit3A_144 = arith.constant 5120 : i32
        %max3A_145 = vector.broadcast %jit3A_143 : i32 to vector<16xi32>
        %max3A_146 = arith.maxsi %max3A_145, %sub3A_142 : vector<16xi32>
        %min3A_147 = vector.broadcast %jit3A_144 : i32 to vector<16xi32>
        %min3A_148 = arith.minsi %min3A_147, %max3A_146 : vector<16xi32>
        %swap3A_149 = arith.constant 16 : index
        %swap3A_150 = tpu.vector_load %arg15[%swap3A_149] {strides = array<i32>} : memref<32xi32, #tpu.memory_space<vmem>>, vector<16xi32>,
        tpu.vector_store %arg15[%swap3A_149], %min3A_148 {strides = array<i32>} : memref<32xi32, #tpu.memory_space<vmem>>, vector<16xi32>,
        %dma_start3A = arith.constant 0 : i32
        %dma_start3A_151 = arith.constant 0 : i32
        %dma_start3A_152 = tpu.memref_slice %arg4[%dma_start3A, %dma_start3A_151] : memref<100000x128xf32, #tpu.memory_space<hbm>> -> memref<100000x128xf32, #tpu.memory_space<hbm>>
        tpu.enqueue_indirect_dma source(%dma_start3A_152 : memref<100000x128xf32, #tpu.memory_space<hbm>>) target(%arg16 : memref<32x128xf32, #tpu.memory_space<vmem>>) offsets(%arg13 : memref<32xi32, #tpu.memory_space<vmem>>) semaphore(%arg24 : memref<!tpu.dma_semaphore, #tpu.memory_space<semaphore_mem>>)
        %dma_start3A_153 = arith.constant 0 : i32
        %dma_start3A_154 = arith.constant 0 : i32
        %dma_start3A_155 = tpu.memref_slice %arg5[%dma_start3A_153, %dma_start3A_154] : memref<100000x128xf32, #tpu.memory_space<hbm>> -> memref<100000x128xf32, #tpu.memory_space<hbm>>
        tpu.enqueue_indirect_dma source(%dma_start3A_155 : memref<100000x128xf32, #tpu.memory_space<hbm>>) target(%arg17 : memref<32x128xf32, #tpu.memory_space<vmem>>) offsets(%arg13 : memref<32xi32, #tpu.memory_space<vmem>>) semaphore(%arg24 : memref<!tpu.dma_semaphore, #tpu.memory_space<semaphore_mem>>)
        %dma_start3A_156 = arith.constant 0 : i32
        %dma_start3A_157 = arith.constant 0 : i32
        %dma_start3A_158 = tpu.memref_slice %arg7[%dma_start3A_156, %dma_start3A_157] : memref<100000x128xf32, #tpu.memory_space<hbm>> -> memref<100000x128xf32, #tpu.memory_space<hbm>>
        tpu.enqueue_indirect_dma source(%dma_start3A_158 : memref<100000x128xf32, #tpu.memory_space<hbm>>) target(%arg18 : memref<32x128xf32, #tpu.memory_space<vmem>>) offsets(%arg13 : memref<32xi32, #tpu.memory_space<vmem>>) semaphore(%arg24 : memref<!tpu.dma_semaphore, #tpu.memory_space<semaphore_mem>>)
        %dma_start3A_159 = arith.constant 0 : i32
        %dma_start3A_160 = arith.constant 0 : i32
        %dma_start3A_161 = tpu.memref_slice %arg6[%dma_start3A_159, %dma_start3A_160] : memref<100000x128xf32, #tpu.memory_space<hbm>> -> memref<100000x128xf32, #tpu.memory_space<hbm>>
        tpu.enqueue_indirect_dma source(%dma_start3A_161 : memref<100000x128xf32, #tpu.memory_space<hbm>>) target(%arg19 : memref<32x128xf32, #tpu.memory_space<vmem>>) offsets(%arg14 : memref<32xi32, #tpu.memory_space<vmem>>) semaphore(%arg24 : memref<!tpu.dma_semaphore, #tpu.memory_space<semaphore_mem>>)
        %dma_wait3A = arith.constant 0 : i32
        %dma_wait3A_162 = arith.constant 0 : i32
        %dma_wait3A_163 = tpu.memref_slice %arg4[%dma_wait3A, %dma_wait3A_162] : memref<100000x128xf32, #tpu.memory_space<hbm>> -> memref<100000x128xf32, #tpu.memory_space<hbm>>
        tpu.wait_indirect_dma semaphore(%arg24 : memref<!tpu.dma_semaphore, #tpu.memory_space<semaphore_mem>>) src(%dma_wait3A_163 : memref<100000x128xf32, #tpu.memory_space<hbm>>) dst(%arg16 : memref<32x128xf32, #tpu.memory_space<vmem>>)
        %dma_wait3A_164 = arith.constant 0 : i32
        %dma_wait3A_165 = arith.constant 0 : i32
        %dma_wait3A_166 = tpu.memref_slice %arg5[%dma_wait3A_164, %dma_wait3A_165] : memref<100000x128xf32, #tpu.memory_space<hbm>> -> memref<100000x128xf32, #tpu.memory_space<hbm>>
        tpu.wait_indirect_dma semaphore(%arg24 : memref<!tpu.dma_semaphore, #tpu.memory_space<semaphore_mem>>) src(%dma_wait3A_166 : memref<100000x128xf32, #tpu.memory_space<hbm>>) dst(%arg17 : memref<32x128xf32, #tpu.memory_space<vmem>>)
        %dma_wait3A_167 = arith.constant 0 : i32
        %dma_wait3A_168 = arith.constant 0 : i32
        %dma_wait3A_169 = tpu.memref_slice %arg7[%dma_wait3A_167, %dma_wait3A_168] : memref<100000x128xf32, #tpu.memory_space<hbm>> -> memref<100000x128xf32, #tpu.memory_space<hbm>>
        tpu.wait_indirect_dma semaphore(%arg24 : memref<!tpu.dma_semaphore, #tpu.memory_space<semaphore_mem>>) src(%dma_wait3A_169 : memref<100000x128xf32, #tpu.memory_space<hbm>>) dst(%arg18 : memref<32x128xf32, #tpu.memory_space<vmem>>)
        %dma_wait3A_170 = arith.constant 0 : i32
        %dma_wait3A_171 = arith.constant 0 : i32
        %dma_wait3A_172 = tpu.memref_slice %arg6[%dma_wait3A_170, %dma_wait3A_171] : memref<100000x128xf32, #tpu.memory_space<hbm>> -> memref<100000x128xf32, #tpu.memory_space<hbm>>
        tpu.wait_indirect_dma semaphore(%arg24 : memref<!tpu.dma_semaphore, #tpu.memory_space<semaphore_mem>>) src(%dma_wait3A_172 : memref<100000x128xf32, #tpu.memory_space<hbm>>) dst(%arg19 : memref<32x128xf32, #tpu.memory_space<vmem>>)
        %scan3A_173 = arith.constant 0 : i32
        %scan3A_174 = arith.constant 0 : i32
        %scan3A_175 = arith.constant 32 : i32
        %scan3A_176 = arith.addi %scan3A_174, %scan3A_175 : i32
        %scan3A_177 = arith.constant 1 : i32
        scf.for %scan3A_179 = %scan3A_174 to %scan3A_176 step %scan3A_177  : i32 {
          %get3A_180 = arith.index_cast %scan3A_179 : i32 to index
          %get3A_181 = arith.constant 0 : index
          %get3A_182 = tpu.vector_load %arg19[%get3A_180, %get3A_181] {strides = array<i32>} : memref<32x128xf32, #tpu.memory_space<vmem>>, vector<16xf32>,
          %get3A_183 = arith.index_cast %scan3A_179 : i32 to index
          %get3A_184 = arith.constant 0 : index
          %get3A_185 = tpu.vector_load %arg18[%get3A_183, %get3A_184] {strides = array<i32>} : memref<32x128xf32, #tpu.memory_space<vmem>>, vector<16xf32>,
          %get3A_186 = arith.index_cast %scan3A_179 : i32 to index
          %get3A_187 = arith.constant 0 : index
          %get3A_188 = tpu.vector_load %arg17[%get3A_186, %get3A_187] {strides = array<i32>} : memref<32x128xf32, #tpu.memory_space<vmem>>, vector<16xf32>,
          %add3A_189 = arith.addf %get3A_182, %get3A_185 : vector<16xf32>
          %neg3A = arith.constant 0.000000e+00 : f32
          %neg3A_190 = vector.broadcast %neg3A : f32 to vector<16xf32>
          %neg3A_191 = arith.subf %neg3A_190, %add3A_189 : vector<16xf32>
          %exp3A = math.exp %neg3A_191 : vector<16xf32>
          %add3A_192 = arith.constant 1.000000e+00 : f32
          %add3A_193 = vector.broadcast %add3A_192 : f32 to vector<16xf32>
          %add3A_194 = arith.addf %add3A_193, %exp3A : vector<16xf32>
          %div3A_195 = arith.constant 1.000000e+00 : f32
          %div3A_196 = vector.broadcast %div3A_195 : f32 to vector<16xf32>
          %div3A_197 = arith.divf %div3A_196, %add3A_194 : vector<16xf32>
          %mul3A_198 = arith.mulf %div3A_197, %get3A_188 : vector<16xf32>
          %swap3A_199 = arith.index_cast %scan3A_179 : i32 to index
          %swap3A_200 = arith.constant 0 : index
          %swap3A_201 = tpu.vector_load %arg17[%swap3A_199, %swap3A_200] {strides = array<i32>} : memref<32x128xf32, #tpu.memory_space<vmem>>, vector<16xf32>,
          tpu.vector_store %arg17[%swap3A_199, %swap3A_200], %mul3A_198 {strides = array<i32>} : memref<32x128xf32, #tpu.memory_space<vmem>>, vector<16xf32>,
          %get3A_202 = arith.index_cast %scan3A_179 : i32 to index
          %get3A_203 = arith.constant 16 : index
          %get3A_204 = tpu.vector_load %arg19[%get3A_202, %get3A_203] {strides = array<i32>} : memref<32x128xf32, #tpu.memory_space<vmem>>, vector<16xf32>,
          %get3A_205 = arith.index_cast %scan3A_179 : i32 to index
          %get3A_206 = arith.constant 16 : index
          %get3A_207 = tpu.vector_load %arg18[%get3A_205, %get3A_206] {strides = array<i32>} : memref<32x128xf32, #tpu.memory_space<vmem>>, vector<16xf32>,
          %get3A_208 = arith.index_cast %scan3A_179 : i32 to index
          %get3A_209 = arith.constant 16 : index
          %get3A_210 = tpu.vector_load %arg17[%get3A_208, %get3A_209] {strides = array<i32>} : memref<32x128xf32, #tpu.memory_space<vmem>>, vector<16xf32>,
          %add3A_211 = arith.addf %get3A_204, %get3A_207 : vector<16xf32>
          %neg3A_212 = arith.constant 0.000000e+00 : f32
          %neg3A_213 = vector.broadcast %neg3A_212 : f32 to vector<16xf32>
          %neg3A_214 = arith.subf %neg3A_213, %add3A_211 : vector<16xf32>
          %exp3A_215 = math.exp %neg3A_214 : vector<16xf32>
          %add3A_216 = arith.constant 1.000000e+00 : f32
          %add3A_217 = vector.broadcast %add3A_216 : f32 to vector<16xf32>
          %add3A_218 = arith.addf %add3A_217, %exp3A_215 : vector<16xf32>
          %div3A_219 = arith.constant 1.000000e+00 : f32
          %div3A_220 = vector.broadcast %div3A_219 : f32 to vector<16xf32>
          %div3A_221 = arith.divf %div3A_220, %add3A_218 : vector<16xf32>
          %mul3A_222 = arith.mulf %div3A_221, %get3A_210 : vector<16xf32>
          %swap3A_223 = arith.index_cast %scan3A_179 : i32 to index
          %swap3A_224 = arith.constant 16 : index
          %swap3A_225 = tpu.vector_load %arg17[%swap3A_223, %swap3A_224] {strides = array<i32>} : memref<32x128xf32, #tpu.memory_space<vmem>>, vector<16xf32>,
          tpu.vector_store %arg17[%swap3A_223, %swap3A_224], %mul3A_222 {strides = array<i32>} : memref<32x128xf32, #tpu.memory_space<vmem>>, vector<16xf32>,
          %get3A_226 = arith.index_cast %scan3A_179 : i32 to index
          %get3A_227 = arith.constant 32 : index
          %get3A_228 = tpu.vector_load %arg19[%get3A_226, %get3A_227] {strides = array<i32>} : memref<32x128xf32, #tpu.memory_space<vmem>>, vector<16xf32>,
          %get3A_229 = arith.index_cast %scan3A_179 : i32 to index
          %get3A_230 = arith.constant 32 : index
          %get3A_231 = tpu.vector_load %arg18[%get3A_229, %get3A_230] {strides = array<i32>} : memref<32x128xf32, #tpu.memory_space<vmem>>, vector<16xf32>,
          %get3A_232 = arith.index_cast %scan3A_179 : i32 to index
          %get3A_233 = arith.constant 32 : index
          %get3A_234 = tpu.vector_load %arg17[%get3A_232, %get3A_233] {strides = array<i32>} : memref<32x128xf32, #tpu.memory_space<vmem>>, vector<16xf32>,
          %add3A_235 = arith.addf %get3A_228, %get3A_231 : vector<16xf32>
          %neg3A_236 = arith.constant 0.000000e+00 : f32
          %neg3A_237 = vector.broadcast %neg3A_236 : f32 to vector<16xf32>
          %neg3A_238 = arith.subf %neg3A_237, %add3A_235 : vector<16xf32>
          %exp3A_239 = math.exp %neg3A_238 : vector<16xf32>
          %add3A_240 = arith.constant 1.000000e+00 : f32
          %add3A_241 = vector.broadcast %add3A_240 : f32 to vector<16xf32>
          %add3A_242 = arith.addf %add3A_241, %exp3A_239 : vector<16xf32>
          %div3A_243 = arith.constant 1.000000e+00 : f32
          %div3A_244 = vector.broadcast %div3A_243 : f32 to vector<16xf32>
          %div3A_245 = arith.divf %div3A_244, %add3A_242 : vector<16xf32>
          %mul3A_246 = arith.mulf %div3A_245, %get3A_234 : vector<16xf32>
          %swap3A_247 = arith.index_cast %scan3A_179 : i32 to index
          %swap3A_248 = arith.constant 32 : index
          %swap3A_249 = tpu.vector_load %arg17[%swap3A_247, %swap3A_248] {strides = array<i32>} : memref<32x128xf32, #tpu.memory_space<vmem>>, vector<16xf32>,
          tpu.vector_store %arg17[%swap3A_247, %swap3A_248], %mul3A_246 {strides = array<i32>} : memref<32x128xf32, #tpu.memory_space<vmem>>, vector<16xf32>,
          %get3A_250 = arith.index_cast %scan3A_179 : i32 to index
          %get3A_251 = arith.constant 48 : index
          %get3A_252 = tpu.vector_load %arg19[%get3A_250, %get3A_251] {strides = array<i32>} : memref<32x128xf32, #tpu.memory_space<vmem>>, vector<16xf32>,
          %get3A_253 = arith.index_cast %scan3A_179 : i32 to index
          %get3A_254 = arith.constant 48 : index
          %get3A_255 = tpu.vector_load %arg18[%get3A_253, %get3A_254] {strides = array<i32>} : memref<32x128xf32, #tpu.memory_space<vmem>>, vector<16xf32>,
          %get3A_256 = arith.index_cast %scan3A_179 : i32 to index
          %get3A_257 = arith.constant 48 : index
          %get3A_258 = tpu.vector_load %arg17[%get3A_256, %get3A_257] {strides = array<i32>} : memref<32x128xf32, #tpu.memory_space<vmem>>, vector<16xf32>,
          %add3A_259 = arith.addf %get3A_252, %get3A_255 : vector<16xf32>
          %neg3A_260 = arith.constant 0.000000e+00 : f32
          %neg3A_261 = vector.broadcast %neg3A_260 : f32 to vector<16xf32>
          %neg3A_262 = arith.subf %neg3A_261, %add3A_259 : vector<16xf32>
          %exp3A_263 = math.exp %neg3A_262 : vector<16xf32>
          %add3A_264 = arith.constant 1.000000e+00 : f32
          %add3A_265 = vector.broadcast %add3A_264 : f32 to vector<16xf32>
          %add3A_266 = arith.addf %add3A_265, %exp3A_263 : vector<16xf32>
          %div3A_267 = arith.constant 1.000000e+00 : f32
          %div3A_268 = vector.broadcast %div3A_267 : f32 to vector<16xf32>
          %div3A_269 = arith.divf %div3A_268, %add3A_266 : vector<16xf32>
          %mul3A_270 = arith.mulf %div3A_269, %get3A_258 : vector<16xf32>
          %swap3A_271 = arith.index_cast %scan3A_179 : i32 to index
          %swap3A_272 = arith.constant 48 : index
          %swap3A_273 = tpu.vector_load %arg17[%swap3A_271, %swap3A_272] {strides = array<i32>} : memref<32x128xf32, #tpu.memory_space<vmem>>, vector<16xf32>,
          tpu.vector_store %arg17[%swap3A_271, %swap3A_272], %mul3A_270 {strides = array<i32>} : memref<32x128xf32, #tpu.memory_space<vmem>>, vector<16xf32>,
          %get3A_274 = arith.index_cast %scan3A_179 : i32 to index
          %get3A_275 = arith.constant 64 : index
          %get3A_276 = tpu.vector_load %arg19[%get3A_274, %get3A_275] {strides = array<i32>} : memref<32x128xf32, #tpu.memory_space<vmem>>, vector<16xf32>,
          %get3A_277 = arith.index_cast %scan3A_179 : i32 to index
          %get3A_278 = arith.constant 64 : index
          %get3A_279 = tpu.vector_load %arg18[%get3A_277, %get3A_278] {strides = array<i32>} : memref<32x128xf32, #tpu.memory_space<vmem>>, vector<16xf32>,
          %get3A_280 = arith.index_cast %scan3A_179 : i32 to index
          %get3A_281 = arith.constant 64 : index
          %get3A_282 = tpu.vector_load %arg17[%get3A_280, %get3A_281] {strides = array<i32>} : memref<32x128xf32, #tpu.memory_space<vmem>>, vector<16xf32>,
          %add3A_283 = arith.addf %get3A_276, %get3A_279 : vector<16xf32>
          %neg3A_284 = arith.constant 0.000000e+00 : f32
          %neg3A_285 = vector.broadcast %neg3A_284 : f32 to vector<16xf32>
          %neg3A_286 = arith.subf %neg3A_285, %add3A_283 : vector<16xf32>
          %exp3A_287 = math.exp %neg3A_286 : vector<16xf32>
          %add3A_288 = arith.constant 1.000000e+00 : f32
          %add3A_289 = vector.broadcast %add3A_288 : f32 to vector<16xf32>
          %add3A_290 = arith.addf %add3A_289, %exp3A_287 : vector<16xf32>
          %div3A_291 = arith.constant 1.000000e+00 : f32
          %div3A_292 = vector.broadcast %div3A_291 : f32 to vector<16xf32>
          %div3A_293 = arith.divf %div3A_292, %add3A_290 : vector<16xf32>
          %mul3A_294 = arith.mulf %div3A_293, %get3A_282 : vector<16xf32>
          %swap3A_295 = arith.index_cast %scan3A_179 : i32 to index
          %swap3A_296 = arith.constant 64 : index
          %swap3A_297 = tpu.vector_load %arg17[%swap3A_295, %swap3A_296] {strides = array<i32>} : memref<32x128xf32, #tpu.memory_space<vmem>>, vector<16xf32>,
          tpu.vector_store %arg17[%swap3A_295, %swap3A_296], %mul3A_294 {strides = array<i32>} : memref<32x128xf32, #tpu.memory_space<vmem>>, vector<16xf32>,
          %get3A_298 = arith.index_cast %scan3A_179 : i32 to index
          %get3A_299 = arith.constant 80 : index
          %get3A_300 = tpu.vector_load %arg19[%get3A_298, %get3A_299] {strides = array<i32>} : memref<32x128xf32, #tpu.memory_space<vmem>>, vector<16xf32>,
          %get3A_301 = arith.index_cast %scan3A_179 : i32 to index
          %get3A_302 = arith.constant 80 : index
          %get3A_303 = tpu.vector_load %arg18[%get3A_301, %get3A_302] {strides = array<i32>} : memref<32x128xf32, #tpu.memory_space<vmem>>, vector<16xf32>,
          %get3A_304 = arith.index_cast %scan3A_179 : i32 to index
          %get3A_305 = arith.constant 80 : index
          %get3A_306 = tpu.vector_load %arg17[%get3A_304, %get3A_305] {strides = array<i32>} : memref<32x128xf32, #tpu.memory_space<vmem>>, vector<16xf32>,
          %add3A_307 = arith.addf %get3A_300, %get3A_303 : vector<16xf32>
          %neg3A_308 = arith.constant 0.000000e+00 : f32
          %neg3A_309 = vector.broadcast %neg3A_308 : f32 to vector<16xf32>
          %neg3A_310 = arith.subf %neg3A_309, %add3A_307 : vector<16xf32>
          %exp3A_311 = math.exp %neg3A_310 : vector<16xf32>
          %add3A_312 = arith.constant 1.000000e+00 : f32
          %add3A_313 = vector.broadcast %add3A_312 : f32 to vector<16xf32>
          %add3A_314 = arith.addf %add3A_313, %exp3A_311 : vector<16xf32>
          %div3A_315 = arith.constant 1.000000e+00 : f32
          %div3A_316 = vector.broadcast %div3A_315 : f32 to vector<16xf32>
          %div3A_317 = arith.divf %div3A_316, %add3A_314 : vector<16xf32>
          %mul3A_318 = arith.mulf %div3A_317, %get3A_306 : vector<16xf32>
          %swap3A_319 = arith.index_cast %scan3A_179 : i32 to index
          %swap3A_320 = arith.constant 80 : index
          %swap3A_321 = tpu.vector_load %arg17[%swap3A_319, %swap3A_320] {strides = array<i32>} : memref<32x128xf32, #tpu.memory_space<vmem>>, vector<16xf32>,
          tpu.vector_store %arg17[%swap3A_319, %swap3A_320], %mul3A_318 {strides = array<i32>} : memref<32x128xf32, #tpu.memory_space<vmem>>, vector<16xf32>,
          %get3A_322 = arith.index_cast %scan3A_179 : i32 to index
          %get3A_323 = arith.constant 96 : index
          %get3A_324 = tpu.vector_load %arg19[%get3A_322, %get3A_323] {strides = array<i32>} : memref<32x128xf32, #tpu.memory_space<vmem>>, vector<16xf32>,
          %get3A_325 = arith.index_cast %scan3A_179 : i32 to index
          %get3A_326 = arith.constant 96 : index
          %get3A_327 = tpu.vector_load %arg18[%get3A_325, %get3A_326] {strides = array<i32>} : memref<32x128xf32, #tpu.memory_space<vmem>>, vector<16xf32>,
          %get3A_328 = arith.index_cast %scan3A_179 : i32 to index
          %get3A_329 = arith.constant 96 : index
          %get3A_330 = tpu.vector_load %arg17[%get3A_328, %get3A_329] {strides = array<i32>} : memref<32x128xf32, #tpu.memory_space<vmem>>, vector<16xf32>,
          %add3A_331 = arith.addf %get3A_324, %get3A_327 : vector<16xf32>
          %neg3A_332 = arith.constant 0.000000e+00 : f32
          %neg3A_333 = vector.broadcast %neg3A_332 : f32 to vector<16xf32>
          %neg3A_334 = arith.subf %neg3A_333, %add3A_331 : vector<16xf32>
          %exp3A_335 = math.exp %neg3A_334 : vector<16xf32>
          %add3A_336 = arith.constant 1.000000e+00 : f32
          %add3A_337 = vector.broadcast %add3A_336 : f32 to vector<16xf32>
          %add3A_338 = arith.addf %add3A_337, %exp3A_335 : vector<16xf32>
          %div3A_339 = arith.constant 1.000000e+00 : f32
          %div3A_340 = vector.broadcast %div3A_339 : f32 to vector<16xf32>
          %div3A_341 = arith.divf %div3A_340, %add3A_338 : vector<16xf32>
          %mul3A_342 = arith.mulf %div3A_341, %get3A_330 : vector<16xf32>
          %swap3A_343 = arith.index_cast %scan3A_179 : i32 to index
          %swap3A_344 = arith.constant 96 : index
          %swap3A_345 = tpu.vector_load %arg17[%swap3A_343, %swap3A_344] {strides = array<i32>} : memref<32x128xf32, #tpu.memory_space<vmem>>, vector<16xf32>,
          tpu.vector_store %arg17[%swap3A_343, %swap3A_344], %mul3A_342 {strides = array<i32>} : memref<32x128xf32, #tpu.memory_space<vmem>>, vector<16xf32>,
          %get3A_346 = arith.index_cast %scan3A_179 : i32 to index
          %get3A_347 = arith.constant 112 : index
          %get3A_348 = tpu.vector_load %arg19[%get3A_346, %get3A_347] {strides = array<i32>} : memref<32x128xf32, #tpu.memory_space<vmem>>, vector<16xf32>,
          %get3A_349 = arith.index_cast %scan3A_179 : i32 to index
          %get3A_350 = arith.constant 112 : index
          %get3A_351 = tpu.vector_load %arg18[%get3A_349, %get3A_350] {strides = array<i32>} : memref<32x128xf32, #tpu.memory_space<vmem>>, vector<16xf32>,
          %get3A_352 = arith.index_cast %scan3A_179 : i32 to index
          %get3A_353 = arith.constant 112 : index
          %get3A_354 = tpu.vector_load %arg17[%get3A_352, %get3A_353] {strides = array<i32>} : memref<32x128xf32, #tpu.memory_space<vmem>>, vector<16xf32>,
          %add3A_355 = arith.addf %get3A_348, %get3A_351 : vector<16xf32>
          %neg3A_356 = arith.constant 0.000000e+00 : f32
          %neg3A_357 = vector.broadcast %neg3A_356 : f32 to vector<16xf32>
          %neg3A_358 = arith.subf %neg3A_357, %add3A_355 : vector<16xf32>
          %exp3A_359 = math.exp %neg3A_358 : vector<16xf32>
          %add3A_360 = arith.constant 1.000000e+00 : f32
          %add3A_361 = vector.broadcast %add3A_360 : f32 to vector<16xf32>
          %add3A_362 = arith.addf %add3A_361, %exp3A_359 : vector<16xf32>
          %div3A_363 = arith.constant 1.000000e+00 : f32
          %div3A_364 = vector.broadcast %div3A_363 : f32 to vector<16xf32>
          %div3A_365 = arith.divf %div3A_364, %add3A_362 : vector<16xf32>
          %mul3A_366 = arith.mulf %div3A_365, %get3A_354 : vector<16xf32>
          %swap3A_367 = arith.index_cast %scan3A_179 : i32 to index
          %swap3A_368 = arith.constant 112 : index
          %swap3A_369 = tpu.vector_load %arg17[%swap3A_367, %swap3A_368] {strides = array<i32>} : memref<32x128xf32, #tpu.memory_space<vmem>>, vector<16xf32>,
          tpu.vector_store %arg17[%swap3A_367, %swap3A_368], %mul3A_366 {strides = array<i32>} : memref<32x128xf32, #tpu.memory_space<vmem>>, vector<16xf32>,
        }
        %scan3A_178 = arith.constant 32 : i32
        "tpu.region"() ({
          %run_scoped3A = tpu.sem_alloc : memref<!tpu.dma_semaphore, #tpu.memory_space<semaphore_mem>>
          %dma_start3A_179 = arith.constant 0 : i32
          %dma_start3A_180 = arith.constant 0 : i32
          %dma_start3A_181 = tpu.memref_slice %arg22[%dma_start3A_179, %dma_start3A_180] : memref<5128x128xf32, #tpu.memory_space<vmem_shared>> -> memref<5128x128xf32, #tpu.memory_space<vmem_shared>>
          tpu.enqueue_indirect_dma source(%arg17 : memref<32x128xf32, #tpu.memory_space<vmem>>) target(%dma_start3A_181 : memref<5128x128xf32, #tpu.memory_space<vmem_shared>>) offsets(%arg15 : memref<32xi32, #tpu.memory_space<vmem>>) semaphore(%run_scoped3A : memref<!tpu.dma_semaphore, #tpu.memory_space<semaphore_mem>>) {add = true}
          %dma_wait3A_182 = arith.constant 0 : i32
          %dma_wait3A_183 = arith.constant 0 : i32
          %dma_wait3A_184 = tpu.memref_slice %arg22[%dma_wait3A_182, %dma_wait3A_183] : memref<5128x128xf32, #tpu.memory_space<vmem_shared>> -> memref<5128x128xf32, #tpu.memory_space<vmem_shared>>
          tpu.wait_indirect_dma semaphore(%run_scoped3A : memref<!tpu.dma_semaphore, #tpu.memory_space<semaphore_mem>>) src(%arg17 : memref<32x128xf32, #tpu.memory_space<vmem>>) dst(%dma_wait3A_184 : memref<5128x128xf32, #tpu.memory_space<vmem_shared>>)
          tpu.yield
        }) : () -> ()
        "tpu.region"() ({
          %run_scoped3A = tpu.sem_alloc : memref<!tpu.dma_semaphore, #tpu.memory_space<semaphore_mem>>
          %dma_start3A_179 = arith.constant 0 : i32
          %dma_start3A_180 = arith.constant 0 : i32
          %dma_start3A_181 = tpu.memref_slice %arg23[%dma_start3A_179, %dma_start3A_180] : memref<5128x128xf32, #tpu.memory_space<vmem_shared>> -> memref<5128x128xf32, #tpu.memory_space<vmem_shared>>
          tpu.enqueue_indirect_dma source(%arg16 : memref<32x128xf32, #tpu.memory_space<vmem>>) target(%dma_start3A_181 : memref<5128x128xf32, #tpu.memory_space<vmem_shared>>) offsets(%arg15 : memref<32xi32, #tpu.memory_space<vmem>>) semaphore(%run_scoped3A : memref<!tpu.dma_semaphore, #tpu.memory_space<semaphore_mem>>) {add = true}
          %dma_wait3A_182 = arith.constant 0 : i32
          %dma_wait3A_183 = arith.constant 0 : i32
          %dma_wait3A_184 = tpu.memref_slice %arg23[%dma_wait3A_182, %dma_wait3A_183] : memref<5128x128xf32, #tpu.memory_space<vmem_shared>> -> memref<5128x128xf32, #tpu.memory_space<vmem_shared>>
          tpu.wait_indirect_dma semaphore(%run_scoped3A : memref<!tpu.dma_semaphore, #tpu.memory_space<semaphore_mem>>) src(%arg16 : memref<32x128xf32, #tpu.memory_space<vmem>>) dst(%dma_wait3A_184 : memref<5128x128xf32, #tpu.memory_space<vmem_shared>>)
          tpu.yield
        }) : () -> ()
      }
      %while3A_100 = arith.constant 1 : i32
      scf.for %while3A_107 = %while3A_98 to %while3A_94 step %while3A_100  : i32 {
        %mul3A_108 = arith.constant 32 : i32
        %mul3A_109 = arith.muli %while3A_107, %mul3A_108 : i32
        %multiple_of3A = tpu.assume_multiple %mul3A_109, 32 : i32
        %add3A_110 = arith.constant 0 : i32
        %add3A_111 = arith.addi %multiple_of3A, %add3A_110 : i32
        %get3A = arith.index_cast %add3A_111 : i32 to index
        %get3A_112 = tpu.vector_load %arg12[%get3A] {strides = array<i32>} : memref<6320xi32, #tpu.memory_space<vmem>>, vector<16xi32>,
        %gather3A = tpu.vector_load_idx %arg11[%get3A_112] : memref<6272xi32, #tpu.memory_space<vmem>>[vector<16xi32>], vector<16xi32>,
        %gather3A_113 = tpu.vector_load_idx %arg10[%get3A_112] : memref<6272xi32, #tpu.memory_space<vmem>>[vector<16xi32>], vector<16xi32>,
        %swap3A = arith.constant 0 : index
        %swap3A_114 = tpu.vector_load %arg13[%swap3A] {strides = array<i32>} : memref<32xi32, #tpu.memory_space<vmem>>, vector<16xi32>,
        tpu.vector_store %arg13[%swap3A], %gather3A {strides = array<i32>} : memref<32xi32, #tpu.memory_space<vmem>>, vector<16xi32>,
        %min3A = arith.constant 99999 : i32
        %min3A_115 = vector.broadcast %min3A : i32 to vector<16xi32>
        %min3A_116 = arith.minsi %gather3A_113, %min3A_115 : vector<16xi32>
        %swap3A_117 = arith.constant 0 : index
        %swap3A_118 = tpu.vector_load %arg14[%swap3A_117] {strides = array<i32>} : memref<32xi32, #tpu.memory_space<vmem>>, vector<16xi32>,
        tpu.vector_store %arg14[%swap3A_117], %min3A_116 {strides = array<i32>} : memref<32xi32, #tpu.memory_space<vmem>>, vector<16xi32>,
        %sub3A_119 = vector.broadcast %mul3A_14 : i32 to vector<16xi32>
        %sub3A_120 = arith.subi %gather3A_113, %sub3A_119 : vector<16xi32>
        %jit3A_121 = arith.constant 0 : i32
        %jit3A_122 = arith.constant 5120 : i32
        %max3A = vector.broadcast %jit3A_121 : i32 to vector<16xi32>
        %max3A_123 = arith.maxsi %max3A, %sub3A_120 : vector<16xi32>
        %min3A_124 = vector.broadcast %jit3A_122 : i32 to vector<16xi32>
        %min3A_125 = arith.minsi %min3A_124, %max3A_123 : vector<16xi32>
        %swap3A_126 = arith.constant 0 : index
        %swap3A_127 = tpu.vector_load %arg15[%swap3A_126] {strides = array<i32>} : memref<32xi32, #tpu.memory_space<vmem>>, vector<16xi32>,
        tpu.vector_store %arg15[%swap3A_126], %min3A_125 {strides = array<i32>} : memref<32xi32, #tpu.memory_space<vmem>>, vector<16xi32>,
        %add3A_128 = arith.constant 16 : i32
        %add3A_129 = arith.addi %multiple_of3A, %add3A_128 : i32
        %get3A_130 = arith.index_cast %add3A_129 : i32 to index
        %get3A_131 = tpu.vector_load %arg12[%get3A_130] {strides = array<i32>} : memref<6320xi32, #tpu.memory_space<vmem>>, vector<16xi32>,
        %gather3A_132 = tpu.vector_load_idx %arg11[%get3A_131] : memref<6272xi32, #tpu.memory_space<vmem>>[vector<16xi32>], vector<16xi32>,
        %gather3A_133 = tpu.vector_load_idx %arg10[%get3A_131] : memref<6272xi32, #tpu.memory_space<vmem>>[vector<16xi32>], vector<16xi32>,
        %swap3A_134 = arith.constant 16 : index
        %swap3A_135 = tpu.vector_load %arg13[%swap3A_134] {strides = array<i32>} : memref<32xi32, #tpu.memory_space<vmem>>, vector<16xi32>,
        tpu.vector_store %arg13[%swap3A_134], %gather3A_132 {strides = array<i32>} : memref<32xi32, #tpu.memory_space<vmem>>, vector<16xi32>,
        %min3A_136 = arith.constant 99999 : i32
        %min3A_137 = vector.broadcast %min3A_136 : i32 to vector<16xi32>
        %min3A_138 = arith.minsi %gather3A_133, %min3A_137 : vector<16xi32>
        %swap3A_139 = arith.constant 16 : index
        %swap3A_140 = tpu.vector_load %arg14[%swap3A_139] {strides = array<i32>} : memref<32xi32, #tpu.memory_space<vmem>>, vector<16xi32>,
        tpu.vector_store %arg14[%swap3A_139], %min3A_138 {strides = array<i32>} : memref<32xi32, #tpu.memory_space<vmem>>, vector<16xi32>,
        %sub3A_141 = vector.broadcast %mul3A_14 : i32 to vector<16xi32>
        %sub3A_142 = arith.subi %gather3A_133, %sub3A_141 : vector<16xi32>
        %jit3A_143 = arith.constant 0 : i32
        %jit3A_144 = arith.constant 5120 : i32
        %max3A_145 = vector.broadcast %jit3A_143 : i32 to vector<16xi32>
        %max3A_146 = arith.maxsi %max3A_145, %sub3A_142 : vector<16xi32>
        %min3A_147 = vector.broadcast %jit3A_144 : i32 to vector<16xi32>
        %min3A_148 = arith.minsi %min3A_147, %max3A_146 : vector<16xi32>
        %swap3A_149 = arith.constant 16 : index
        %swap3A_150 = tpu.vector_load %arg15[%swap3A_149] {strides = array<i32>} : memref<32xi32, #tpu.memory_space<vmem>>, vector<16xi32>,
        tpu.vector_store %arg15[%swap3A_149], %min3A_148 {strides = array<i32>} : memref<32xi32, #tpu.memory_space<vmem>>, vector<16xi32>,
        %dma_start3A = arith.constant 0 : i32
        %dma_start3A_151 = arith.constant 0 : i32
        %dma_start3A_152 = tpu.memref_slice %arg4[%dma_start3A, %dma_start3A_151] : memref<100000x128xf32, #tpu.memory_space<hbm>> -> memref<100000x128xf32, #tpu.memory_space<hbm>>
        tpu.enqueue_indirect_dma source(%dma_start3A_152 : memref<100000x128xf32, #tpu.memory_space<hbm>>) target(%arg16 : memref<32x128xf32, #tpu.memory_space<vmem>>) offsets(%arg13 : memref<32xi32, #tpu.memory_space<vmem>>) semaphore(%arg24 : memref<!tpu.dma_semaphore, #tpu.memory_space<semaphore_mem>>)
        %dma_start3A_153 = arith.constant 0 : i32
        %dma_start3A_154 = arith.constant 0 : i32
        %dma_start3A_155 = tpu.memref_slice %arg5[%dma_start3A_153, %dma_start3A_154] : memref<100000x128xf32, #tpu.memory_space<hbm>> -> memref<100000x128xf32, #tpu.memory_space<hbm>>
        tpu.enqueue_indirect_dma source(%dma_start3A_155 : memref<100000x128xf32, #tpu.memory_space<hbm>>) target(%arg17 : memref<32x128xf32, #tpu.memory_space<vmem>>) offsets(%arg13 : memref<32xi32, #tpu.memory_space<vmem>>) semaphore(%arg24 : memref<!tpu.dma_semaphore, #tpu.memory_space<semaphore_mem>>)
        %dma_start3A_156 = arith.constant 0 : i32
        %dma_start3A_157 = arith.constant 0 : i32
        %dma_start3A_158 = tpu.memref_slice %arg7[%dma_start3A_156, %dma_start3A_157] : memref<100000x128xf32, #tpu.memory_space<hbm>> -> memref<100000x128xf32, #tpu.memory_space<hbm>>
        tpu.enqueue_indirect_dma source(%dma_start3A_158 : memref<100000x128xf32, #tpu.memory_space<hbm>>) target(%arg18 : memref<32x128xf32, #tpu.memory_space<vmem>>) offsets(%arg13 : memref<32xi32, #tpu.memory_space<vmem>>) semaphore(%arg24 : memref<!tpu.dma_semaphore, #tpu.memory_space<semaphore_mem>>)
        %dma_start3A_159 = arith.constant 0 : i32
        %dma_start3A_160 = arith.constant 0 : i32
        %dma_start3A_161 = tpu.memref_slice %arg6[%dma_start3A_159, %dma_start3A_160] : memref<100000x128xf32, #tpu.memory_space<hbm>> -> memref<100000x128xf32, #tpu.memory_space<hbm>>
        tpu.enqueue_indirect_dma source(%dma_start3A_161 : memref<100000x128xf32, #tpu.memory_space<hbm>>) target(%arg19 : memref<32x128xf32, #tpu.memory_space<vmem>>) offsets(%arg14 : memref<32xi32, #tpu.memory_space<vmem>>) semaphore(%arg24 : memref<!tpu.dma_semaphore, #tpu.memory_space<semaphore_mem>>)
        %dma_wait3A = arith.constant 0 : i32
        %dma_wait3A_162 = arith.constant 0 : i32
        %dma_wait3A_163 = tpu.memref_slice %arg4[%dma_wait3A, %dma_wait3A_162] : memref<100000x128xf32, #tpu.memory_space<hbm>> -> memref<100000x128xf32, #tpu.memory_space<hbm>>
        tpu.wait_indirect_dma semaphore(%arg24 : memref<!tpu.dma_semaphore, #tpu.memory_space<semaphore_mem>>) src(%dma_wait3A_163 : memref<100000x128xf32, #tpu.memory_space<hbm>>) dst(%arg16 : memref<32x128xf32, #tpu.memory_space<vmem>>)
        %dma_wait3A_164 = arith.constant 0 : i32
        %dma_wait3A_165 = arith.constant 0 : i32
        %dma_wait3A_166 = tpu.memref_slice %arg5[%dma_wait3A_164, %dma_wait3A_165] : memref<100000x128xf32, #tpu.memory_space<hbm>> -> memref<100000x128xf32, #tpu.memory_space<hbm>>
        tpu.wait_indirect_dma semaphore(%arg24 : memref<!tpu.dma_semaphore, #tpu.memory_space<semaphore_mem>>) src(%dma_wait3A_166 : memref<100000x128xf32, #tpu.memory_space<hbm>>) dst(%arg17 : memref<32x128xf32, #tpu.memory_space<vmem>>)
        %dma_wait3A_167 = arith.constant 0 : i32
        %dma_wait3A_168 = arith.constant 0 : i32
        %dma_wait3A_169 = tpu.memref_slice %arg7[%dma_wait3A_167, %dma_wait3A_168] : memref<100000x128xf32, #tpu.memory_space<hbm>> -> memref<100000x128xf32, #tpu.memory_space<hbm>>
        tpu.wait_indirect_dma semaphore(%arg24 : memref<!tpu.dma_semaphore, #tpu.memory_space<semaphore_mem>>) src(%dma_wait3A_169 : memref<100000x128xf32, #tpu.memory_space<hbm>>) dst(%arg18 : memref<32x128xf32, #tpu.memory_space<vmem>>)
        %dma_wait3A_170 = arith.constant 0 : i32
        %dma_wait3A_171 = arith.constant 0 : i32
        %dma_wait3A_172 = tpu.memref_slice %arg6[%dma_wait3A_170, %dma_wait3A_171] : memref<100000x128xf32, #tpu.memory_space<hbm>> -> memref<100000x128xf32, #tpu.memory_space<hbm>>
        tpu.wait_indirect_dma semaphore(%arg24 : memref<!tpu.dma_semaphore, #tpu.memory_space<semaphore_mem>>) src(%dma_wait3A_172 : memref<100000x128xf32, #tpu.memory_space<hbm>>) dst(%arg19 : memref<32x128xf32, #tpu.memory_space<vmem>>)
        %scan3A_173 = arith.constant 0 : i32
        %scan3A_174 = arith.constant 0 : i32
        %scan3A_175 = arith.constant 32 : i32
        %scan3A_176 = arith.addi %scan3A_174, %scan3A_175 : i32
        %scan3A_177 = arith.constant 1 : i32
        scf.for %scan3A_179 = %scan3A_174 to %scan3A_176 step %scan3A_177  : i32 {
          %get3A_180 = arith.index_cast %scan3A_179 : i32 to index
          %get3A_181 = arith.constant 0 : index
          %get3A_182 = tpu.vector_load %arg19[%get3A_180, %get3A_181] {strides = array<i32>} : memref<32x128xf32, #tpu.memory_space<vmem>>, vector<16xf32>,
          %get3A_183 = arith.index_cast %scan3A_179 : i32 to index
          %get3A_184 = arith.constant 0 : index
          %get3A_185 = tpu.vector_load %arg18[%get3A_183, %get3A_184] {strides = array<i32>} : memref<32x128xf32, #tpu.memory_space<vmem>>, vector<16xf32>,
          %get3A_186 = arith.index_cast %scan3A_179 : i32 to index
          %get3A_187 = arith.constant 0 : index
          %get3A_188 = tpu.vector_load %arg17[%get3A_186, %get3A_187] {strides = array<i32>} : memref<32x128xf32, #tpu.memory_space<vmem>>, vector<16xf32>,
          %add3A_189 = arith.addf %get3A_182, %get3A_185 : vector<16xf32>
          %neg3A = arith.constant 0.000000e+00 : f32
          %neg3A_190 = vector.broadcast %neg3A : f32 to vector<16xf32>
          %neg3A_191 = arith.subf %neg3A_190, %add3A_189 : vector<16xf32>
          %exp3A = math.exp %neg3A_191 : vector<16xf32>
          %add3A_192 = arith.constant 1.000000e+00 : f32
          %add3A_193 = vector.broadcast %add3A_192 : f32 to vector<16xf32>
          %add3A_194 = arith.addf %add3A_193, %exp3A : vector<16xf32>
          %div3A_195 = arith.constant 1.000000e+00 : f32
          %div3A_196 = vector.broadcast %div3A_195 : f32 to vector<16xf32>
          %div3A_197 = arith.divf %div3A_196, %add3A_194 : vector<16xf32>
          %mul3A_198 = arith.mulf %div3A_197, %get3A_188 : vector<16xf32>
          %swap3A_199 = arith.index_cast %scan3A_179 : i32 to index
          %swap3A_200 = arith.constant 0 : index
          %swap3A_201 = tpu.vector_load %arg17[%swap3A_199, %swap3A_200] {strides = array<i32>} : memref<32x128xf32, #tpu.memory_space<vmem>>, vector<16xf32>,
          tpu.vector_store %arg17[%swap3A_199, %swap3A_200], %mul3A_198 {strides = array<i32>} : memref<32x128xf32, #tpu.memory_space<vmem>>, vector<16xf32>,
          %get3A_202 = arith.index_cast %scan3A_179 : i32 to index
          %get3A_203 = arith.constant 16 : index
          %get3A_204 = tpu.vector_load %arg19[%get3A_202, %get3A_203] {strides = array<i32>} : memref<32x128xf32, #tpu.memory_space<vmem>>, vector<16xf32>,
          %get3A_205 = arith.index_cast %scan3A_179 : i32 to index
          %get3A_206 = arith.constant 16 : index
          %get3A_207 = tpu.vector_load %arg18[%get3A_205, %get3A_206] {strides = array<i32>} : memref<32x128xf32, #tpu.memory_space<vmem>>, vector<16xf32>,
          %get3A_208 = arith.index_cast %scan3A_179 : i32 to index
          %get3A_209 = arith.constant 16 : index
          %get3A_210 = tpu.vector_load %arg17[%get3A_208, %get3A_209] {strides = array<i32>} : memref<32x128xf32, #tpu.memory_space<vmem>>, vector<16xf32>,
          %add3A_211 = arith.addf %get3A_204, %get3A_207 : vector<16xf32>
          %neg3A_212 = arith.constant 0.000000e+00 : f32
          %neg3A_213 = vector.broadcast %neg3A_212 : f32 to vector<16xf32>
          %neg3A_214 = arith.subf %neg3A_213, %add3A_211 : vector<16xf32>
          %exp3A_215 = math.exp %neg3A_214 : vector<16xf32>
          %add3A_216 = arith.constant 1.000000e+00 : f32
          %add3A_217 = vector.broadcast %add3A_216 : f32 to vector<16xf32>
          %add3A_218 = arith.addf %add3A_217, %exp3A_215 : vector<16xf32>
          %div3A_219 = arith.constant 1.000000e+00 : f32
          %div3A_220 = vector.broadcast %div3A_219 : f32 to vector<16xf32>
          %div3A_221 = arith.divf %div3A_220, %add3A_218 : vector<16xf32>
          %mul3A_222 = arith.mulf %div3A_221, %get3A_210 : vector<16xf32>
          %swap3A_223 = arith.index_cast %scan3A_179 : i32 to index
          %swap3A_224 = arith.constant 16 : index
          %swap3A_225 = tpu.vector_load %arg17[%swap3A_223, %swap3A_224] {strides = array<i32>} : memref<32x128xf32, #tpu.memory_space<vmem>>, vector<16xf32>,
          tpu.vector_store %arg17[%swap3A_223, %swap3A_224], %mul3A_222 {strides = array<i32>} : memref<32x128xf32, #tpu.memory_space<vmem>>, vector<16xf32>,
          %get3A_226 = arith.index_cast %scan3A_179 : i32 to index
          %get3A_227 = arith.constant 32 : index
          %get3A_228 = tpu.vector_load %arg19[%get3A_226, %get3A_227] {strides = array<i32>} : memref<32x128xf32, #tpu.memory_space<vmem>>, vector<16xf32>,
          %get3A_229 = arith.index_cast %scan3A_179 : i32 to index
          %get3A_230 = arith.constant 32 : index
          %get3A_231 = tpu.vector_load %arg18[%get3A_229, %get3A_230] {strides = array<i32>} : memref<32x128xf32, #tpu.memory_space<vmem>>, vector<16xf32>,
          %get3A_232 = arith.index_cast %scan3A_179 : i32 to index
          %get3A_233 = arith.constant 32 : index
          %get3A_234 = tpu.vector_load %arg17[%get3A_232, %get3A_233] {strides = array<i32>} : memref<32x128xf32, #tpu.memory_space<vmem>>, vector<16xf32>,
          %add3A_235 = arith.addf %get3A_228, %get3A_231 : vector<16xf32>
          %neg3A_236 = arith.constant 0.000000e+00 : f32
          %neg3A_237 = vector.broadcast %neg3A_236 : f32 to vector<16xf32>
          %neg3A_238 = arith.subf %neg3A_237, %add3A_235 : vector<16xf32>
          %exp3A_239 = math.exp %neg3A_238 : vector<16xf32>
          %add3A_240 = arith.constant 1.000000e+00 : f32
          %add3A_241 = vector.broadcast %add3A_240 : f32 to vector<16xf32>
          %add3A_242 = arith.addf %add3A_241, %exp3A_239 : vector<16xf32>
          %div3A_243 = arith.constant 1.000000e+00 : f32
          %div3A_244 = vector.broadcast %div3A_243 : f32 to vector<16xf32>
          %div3A_245 = arith.divf %div3A_244, %add3A_242 : vector<16xf32>
          %mul3A_246 = arith.mulf %div3A_245, %get3A_234 : vector<16xf32>
          %swap3A_247 = arith.index_cast %scan3A_179 : i32 to index
          %swap3A_248 = arith.constant 32 : index
          %swap3A_249 = tpu.vector_load %arg17[%swap3A_247, %swap3A_248] {strides = array<i32>} : memref<32x128xf32, #tpu.memory_space<vmem>>, vector<16xf32>,
          tpu.vector_store %arg17[%swap3A_247, %swap3A_248], %mul3A_246 {strides = array<i32>} : memref<32x128xf32, #tpu.memory_space<vmem>>, vector<16xf32>,
          %get3A_250 = arith.index_cast %scan3A_179 : i32 to index
          %get3A_251 = arith.constant 48 : index
          %get3A_252 = tpu.vector_load %arg19[%get3A_250, %get3A_251] {strides = array<i32>} : memref<32x128xf32, #tpu.memory_space<vmem>>, vector<16xf32>,
          %get3A_253 = arith.index_cast %scan3A_179 : i32 to index
          %get3A_254 = arith.constant 48 : index
          %get3A_255 = tpu.vector_load %arg18[%get3A_253, %get3A_254] {strides = array<i32>} : memref<32x128xf32, #tpu.memory_space<vmem>>, vector<16xf32>,
          %get3A_256 = arith.index_cast %scan3A_179 : i32 to index
          %get3A_257 = arith.constant 48 : index
          %get3A_258 = tpu.vector_load %arg17[%get3A_256, %get3A_257] {strides = array<i32>} : memref<32x128xf32, #tpu.memory_space<vmem>>, vector<16xf32>,
          %add3A_259 = arith.addf %get3A_252, %get3A_255 : vector<16xf32>
          %neg3A_260 = arith.constant 0.000000e+00 : f32
          %neg3A_261 = vector.broadcast %neg3A_260 : f32 to vector<16xf32>
          %neg3A_262 = arith.subf %neg3A_261, %add3A_259 : vector<16xf32>
          %exp3A_263 = math.exp %neg3A_262 : vector<16xf32>
          %add3A_264 = arith.constant 1.000000e+00 : f32
          %add3A_265 = vector.broadcast %add3A_264 : f32 to vector<16xf32>
          %add3A_266 = arith.addf %add3A_265, %exp3A_263 : vector<16xf32>
          %div3A_267 = arith.constant 1.000000e+00 : f32
          %div3A_268 = vector.broadcast %div3A_267 : f32 to vector<16xf32>
          %div3A_269 = arith.divf %div3A_268, %add3A_266 : vector<16xf32>
          %mul3A_270 = arith.mulf %div3A_269, %get3A_258 : vector<16xf32>
          %swap3A_271 = arith.index_cast %scan3A_179 : i32 to index
          %swap3A_272 = arith.constant 48 : index
          %swap3A_273 = tpu.vector_load %arg17[%swap3A_271, %swap3A_272] {strides = array<i32>} : memref<32x128xf32, #tpu.memory_space<vmem>>, vector<16xf32>,
          tpu.vector_store %arg17[%swap3A_271, %swap3A_272], %mul3A_270 {strides = array<i32>} : memref<32x128xf32, #tpu.memory_space<vmem>>, vector<16xf32>,
          %get3A_274 = arith.index_cast %scan3A_179 : i32 to index
          %get3A_275 = arith.constant 64 : index
          %get3A_276 = tpu.vector_load %arg19[%get3A_274, %get3A_275] {strides = array<i32>} : memref<32x128xf32, #tpu.memory_space<vmem>>, vector<16xf32>,
          %get3A_277 = arith.index_cast %scan3A_179 : i32 to index
          %get3A_278 = arith.constant 64 : index
          %get3A_279 = tpu.vector_load %arg18[%get3A_277, %get3A_278] {strides = array<i32>} : memref<32x128xf32, #tpu.memory_space<vmem>>, vector<16xf32>,
          %get3A_280 = arith.index_cast %scan3A_179 : i32 to index
          %get3A_281 = arith.constant 64 : index
          %get3A_282 = tpu.vector_load %arg17[%get3A_280, %get3A_281] {strides = array<i32>} : memref<32x128xf32, #tpu.memory_space<vmem>>, vector<16xf32>,
          %add3A_283 = arith.addf %get3A_276, %get3A_279 : vector<16xf32>
          %neg3A_284 = arith.constant 0.000000e+00 : f32
          %neg3A_285 = vector.broadcast %neg3A_284 : f32 to vector<16xf32>
          %neg3A_286 = arith.subf %neg3A_285, %add3A_283 : vector<16xf32>
          %exp3A_287 = math.exp %neg3A_286 : vector<16xf32>
          %add3A_288 = arith.constant 1.000000e+00 : f32
          %add3A_289 = vector.broadcast %add3A_288 : f32 to vector<16xf32>
          %add3A_290 = arith.addf %add3A_289, %exp3A_287 : vector<16xf32>
          %div3A_291 = arith.constant 1.000000e+00 : f32
          %div3A_292 = vector.broadcast %div3A_291 : f32 to vector<16xf32>
          %div3A_293 = arith.divf %div3A_292, %add3A_290 : vector<16xf32>
          %mul3A_294 = arith.mulf %div3A_293, %get3A_282 : vector<16xf32>
          %swap3A_295 = arith.index_cast %scan3A_179 : i32 to index
          %swap3A_296 = arith.constant 64 : index
          %swap3A_297 = tpu.vector_load %arg17[%swap3A_295, %swap3A_296] {strides = array<i32>} : memref<32x128xf32, #tpu.memory_space<vmem>>, vector<16xf32>,
          tpu.vector_store %arg17[%swap3A_295, %swap3A_296], %mul3A_294 {strides = array<i32>} : memref<32x128xf32, #tpu.memory_space<vmem>>, vector<16xf32>,
          %get3A_298 = arith.index_cast %scan3A_179 : i32 to index
          %get3A_299 = arith.constant 80 : index
          %get3A_300 = tpu.vector_load %arg19[%get3A_298, %get3A_299] {strides = array<i32>} : memref<32x128xf32, #tpu.memory_space<vmem>>, vector<16xf32>,
          %get3A_301 = arith.index_cast %scan3A_179 : i32 to index
          %get3A_302 = arith.constant 80 : index
          %get3A_303 = tpu.vector_load %arg18[%get3A_301, %get3A_302] {strides = array<i32>} : memref<32x128xf32, #tpu.memory_space<vmem>>, vector<16xf32>,
          %get3A_304 = arith.index_cast %scan3A_179 : i32 to index
          %get3A_305 = arith.constant 80 : index
          %get3A_306 = tpu.vector_load %arg17[%get3A_304, %get3A_305] {strides = array<i32>} : memref<32x128xf32, #tpu.memory_space<vmem>>, vector<16xf32>,
          %add3A_307 = arith.addf %get3A_300, %get3A_303 : vector<16xf32>
          %neg3A_308 = arith.constant 0.000000e+00 : f32
          %neg3A_309 = vector.broadcast %neg3A_308 : f32 to vector<16xf32>
          %neg3A_310 = arith.subf %neg3A_309, %add3A_307 : vector<16xf32>
          %exp3A_311 = math.exp %neg3A_310 : vector<16xf32>
          %add3A_312 = arith.constant 1.000000e+00 : f32
          %add3A_313 = vector.broadcast %add3A_312 : f32 to vector<16xf32>
          %add3A_314 = arith.addf %add3A_313, %exp3A_311 : vector<16xf32>
          %div3A_315 = arith.constant 1.000000e+00 : f32
          %div3A_316 = vector.broadcast %div3A_315 : f32 to vector<16xf32>
          %div3A_317 = arith.divf %div3A_316, %add3A_314 : vector<16xf32>
          %mul3A_318 = arith.mulf %div3A_317, %get3A_306 : vector<16xf32>
          %swap3A_319 = arith.index_cast %scan3A_179 : i32 to index
          %swap3A_320 = arith.constant 80 : index
          %swap3A_321 = tpu.vector_load %arg17[%swap3A_319, %swap3A_320] {strides = array<i32>} : memref<32x128xf32, #tpu.memory_space<vmem>>, vector<16xf32>,
          tpu.vector_store %arg17[%swap3A_319, %swap3A_320], %mul3A_318 {strides = array<i32>} : memref<32x128xf32, #tpu.memory_space<vmem>>, vector<16xf32>,
          %get3A_322 = arith.index_cast %scan3A_179 : i32 to index
          %get3A_323 = arith.constant 96 : index
          %get3A_324 = tpu.vector_load %arg19[%get3A_322, %get3A_323] {strides = array<i32>} : memref<32x128xf32, #tpu.memory_space<vmem>>, vector<16xf32>,
          %get3A_325 = arith.index_cast %scan3A_179 : i32 to index
          %get3A_326 = arith.constant 96 : index
          %get3A_327 = tpu.vector_load %arg18[%get3A_325, %get3A_326] {strides = array<i32>} : memref<32x128xf32, #tpu.memory_space<vmem>>, vector<16xf32>,
          %get3A_328 = arith.index_cast %scan3A_179 : i32 to index
          %get3A_329 = arith.constant 96 : index
          %get3A_330 = tpu.vector_load %arg17[%get3A_328, %get3A_329] {strides = array<i32>} : memref<32x128xf32, #tpu.memory_space<vmem>>, vector<16xf32>,
          %add3A_331 = arith.addf %get3A_324, %get3A_327 : vector<16xf32>
          %neg3A_332 = arith.constant 0.000000e+00 : f32
          %neg3A_333 = vector.broadcast %neg3A_332 : f32 to vector<16xf32>
          %neg3A_334 = arith.subf %neg3A_333, %add3A_331 : vector<16xf32>
          %exp3A_335 = math.exp %neg3A_334 : vector<16xf32>
          %add3A_336 = arith.constant 1.000000e+00 : f32
          %add3A_337 = vector.broadcast %add3A_336 : f32 to vector<16xf32>
          %add3A_338 = arith.addf %add3A_337, %exp3A_335 : vector<16xf32>
          %div3A_339 = arith.constant 1.000000e+00 : f32
          %div3A_340 = vector.broadcast %div3A_339 : f32 to vector<16xf32>
          %div3A_341 = arith.divf %div3A_340, %add3A_338 : vector<16xf32>
          %mul3A_342 = arith.mulf %div3A_341, %get3A_330 : vector<16xf32>
          %swap3A_343 = arith.index_cast %scan3A_179 : i32 to index
          %swap3A_344 = arith.constant 96 : index
          %swap3A_345 = tpu.vector_load %arg17[%swap3A_343, %swap3A_344] {strides = array<i32>} : memref<32x128xf32, #tpu.memory_space<vmem>>, vector<16xf32>,
          tpu.vector_store %arg17[%swap3A_343, %swap3A_344], %mul3A_342 {strides = array<i32>} : memref<32x128xf32, #tpu.memory_space<vmem>>, vector<16xf32>,
          %get3A_346 = arith.index_cast %scan3A_179 : i32 to index
          %get3A_347 = arith.constant 112 : index
          %get3A_348 = tpu.vector_load %arg19[%get3A_346, %get3A_347] {strides = array<i32>} : memref<32x128xf32, #tpu.memory_space<vmem>>, vector<16xf32>,
          %get3A_349 = arith.index_cast %scan3A_179 : i32 to index
          %get3A_350 = arith.constant 112 : index
          %get3A_351 = tpu.vector_load %arg18[%get3A_349, %get3A_350] {strides = array<i32>} : memref<32x128xf32, #tpu.memory_space<vmem>>, vector<16xf32>,
          %get3A_352 = arith.index_cast %scan3A_179 : i32 to index
          %get3A_353 = arith.constant 112 : index
          %get3A_354 = tpu.vector_load %arg17[%get3A_352, %get3A_353] {strides = array<i32>} : memref<32x128xf32, #tpu.memory_space<vmem>>, vector<16xf32>,
          %add3A_355 = arith.addf %get3A_348, %get3A_351 : vector<16xf32>
          %neg3A_356 = arith.constant 0.000000e+00 : f32
          %neg3A_357 = vector.broadcast %neg3A_356 : f32 to vector<16xf32>
          %neg3A_358 = arith.subf %neg3A_357, %add3A_355 : vector<16xf32>
          %exp3A_359 = math.exp %neg3A_358 : vector<16xf32>
          %add3A_360 = arith.constant 1.000000e+00 : f32
          %add3A_361 = vector.broadcast %add3A_360 : f32 to vector<16xf32>
          %add3A_362 = arith.addf %add3A_361, %exp3A_359 : vector<16xf32>
          %div3A_363 = arith.constant 1.000000e+00 : f32
          %div3A_364 = vector.broadcast %div3A_363 : f32 to vector<16xf32>
          %div3A_365 = arith.divf %div3A_364, %add3A_362 : vector<16xf32>
          %mul3A_366 = arith.mulf %div3A_365, %get3A_354 : vector<16xf32>
          %swap3A_367 = arith.index_cast %scan3A_179 : i32 to index
          %swap3A_368 = arith.constant 112 : index
          %swap3A_369 = tpu.vector_load %arg17[%swap3A_367, %swap3A_368] {strides = array<i32>} : memref<32x128xf32, #tpu.memory_space<vmem>>, vector<16xf32>,
          tpu.vector_store %arg17[%swap3A_367, %swap3A_368], %mul3A_366 {strides = array<i32>} : memref<32x128xf32, #tpu.memory_space<vmem>>, vector<16xf32>,
        }
        %scan3A_178 = arith.constant 32 : i32
        "tpu.region"() ({
          %run_scoped3A = tpu.sem_alloc : memref<!tpu.dma_semaphore, #tpu.memory_space<semaphore_mem>>
          %dma_start3A_179 = arith.constant 0 : i32
          %dma_start3A_180 = arith.constant 0 : i32
          %dma_start3A_181 = tpu.memref_slice %arg22[%dma_start3A_179, %dma_start3A_180] : memref<5128x128xf32, #tpu.memory_space<vmem_shared>> -> memref<5128x128xf32, #tpu.memory_space<vmem_shared>>
          tpu.enqueue_indirect_dma source(%arg17 : memref<32x128xf32, #tpu.memory_space<vmem>>) target(%dma_start3A_181 : memref<5128x128xf32, #tpu.memory_space<vmem_shared>>) offsets(%arg15 : memref<32xi32, #tpu.memory_space<vmem>>) semaphore(%run_scoped3A : memref<!tpu.dma_semaphore, #tpu.memory_space<semaphore_mem>>) {add = true}
          %dma_wait3A_182 = arith.constant 0 : i32
          %dma_wait3A_183 = arith.constant 0 : i32
          %dma_wait3A_184 = tpu.memref_slice %arg22[%dma_wait3A_182, %dma_wait3A_183] : memref<5128x128xf32, #tpu.memory_space<vmem_shared>> -> memref<5128x128xf32, #tpu.memory_space<vmem_shared>>
          tpu.wait_indirect_dma semaphore(%run_scoped3A : memref<!tpu.dma_semaphore, #tpu.memory_space<semaphore_mem>>) src(%arg17 : memref<32x128xf32, #tpu.memory_space<vmem>>) dst(%dma_wait3A_184 : memref<5128x128xf32, #tpu.memory_space<vmem_shared>>)
          tpu.yield
        }) : () -> ()
        "tpu.region"() ({
          %run_scoped3A = tpu.sem_alloc : memref<!tpu.dma_semaphore, #tpu.memory_space<semaphore_mem>>
          %dma_start3A_179 = arith.constant 0 : i32
          %dma_start3A_180 = arith.constant 0 : i32
          %dma_start3A_181 = tpu.memref_slice %arg23[%dma_start3A_179, %dma_start3A_180] : memref<5128x128xf32, #tpu.memory_space<vmem_shared>> -> memref<5128x128xf32, #tpu.memory_space<vmem_shared>>
          tpu.enqueue_indirect_dma source(%arg16 : memref<32x128xf32, #tpu.memory_space<vmem>>) target(%dma_start3A_181 : memref<5128x128xf32, #tpu.memory_space<vmem_shared>>) offsets(%arg15 : memref<32xi32, #tpu.memory_space<vmem>>) semaphore(%run_scoped3A : memref<!tpu.dma_semaphore, #tpu.memory_space<semaphore_mem>>) {add = true}
          %dma_wait3A_182 = arith.constant 0 : i32
          %dma_wait3A_183 = arith.constant 0 : i32
          %dma_wait3A_184 = tpu.memref_slice %arg23[%dma_wait3A_182, %dma_wait3A_183] : memref<5128x128xf32, #tpu.memory_space<vmem_shared>> -> memref<5128x128xf32, #tpu.memory_space<vmem_shared>>
          tpu.wait_indirect_dma semaphore(%run_scoped3A : memref<!tpu.dma_semaphore, #tpu.memory_space<semaphore_mem>>) src(%arg16 : memref<32x128xf32, #tpu.memory_space<vmem>>) dst(%dma_wait3A_184 : memref<5128x128xf32, #tpu.memory_space<vmem_shared>>)
          tpu.yield
        }) : () -> ()
      }
      %barrier3A_101 = arith.constant 0 : index
      tpu.barrier barrier_id(%barrier3A_101)
      %mul3A_102 = arith.constant 320 : i32
      %mul3A_103 = arith.muli %arg1, %mul3A_102 : i32
      %add3A_104 = arith.addi %mul3A_14, %mul3A_103 : i32
      "tpu.region"() ({
        %run_scoped3A = tpu.sem_alloc : memref<!tpu.dma_semaphore, #tpu.memory_space<semaphore_mem>>
        %dma_start3A = arith.constant 0 : i32
        %dma_start3A_107 = tpu.memref_slice %arg8[%add3A_104, %dma_start3A] : memref<102400x128xf32, #tpu.memory_space<hbm>> -> memref<320x128xf32, #tpu.memory_space<hbm>>
        %dma_start3A_108 = arith.constant 0 : i32
        %dma_start3A_109 = tpu.memref_slice %arg22[%mul3A_103, %dma_start3A_108] : memref<5128x128xf32, #tpu.memory_space<vmem_shared>> -> memref<320x128xf32, #tpu.memory_space<vmem_shared>>
        tpu.enqueue_dma source(%dma_start3A_109 : memref<320x128xf32, #tpu.memory_space<vmem_shared>>) target(%dma_start3A_107 : memref<320x128xf32, #tpu.memory_space<hbm>>) target_semaphore(%run_scoped3A : memref<!tpu.dma_semaphore, #tpu.memory_space<semaphore_mem>>)
        %dma_wait3A = arith.constant 0 : i32
        %dma_wait3A_110 = tpu.memref_slice %arg8[%add3A_104, %dma_wait3A] : memref<102400x128xf32, #tpu.memory_space<hbm>> -> memref<320x128xf32, #tpu.memory_space<hbm>>
        %dma_wait3A_111 = arith.constant 0 : i32
        %dma_wait3A_112 = tpu.memref_slice %arg22[%mul3A_103, %dma_wait3A_111] : memref<5128x128xf32, #tpu.memory_space<vmem_shared>> -> memref<320x128xf32, #tpu.memory_space<vmem_shared>>
        tpu.wait_dma2 semaphore(%run_scoped3A : memref<!tpu.dma_semaphore, #tpu.memory_space<semaphore_mem>>) src(%dma_wait3A_112 : memref<320x128xf32, #tpu.memory_space<vmem_shared>>) dst(%dma_wait3A_110 : memref<320x128xf32, #tpu.memory_space<hbm>>)
        tpu.yield
      }) : () -> ()
      %add3A_105 = arith.addi %mul3A_14, %mul3A_103 : i32
      "tpu.region"() ({
        %run_scoped3A = tpu.sem_alloc : memref<!tpu.dma_semaphore, #tpu.memory_space<semaphore_mem>>
        %dma_start3A = arith.constant 0 : i32
        %dma_start3A_107 = tpu.memref_slice %arg9[%add3A_105, %dma_start3A] : memref<102400x128xf32, #tpu.memory_space<hbm>> -> memref<320x128xf32, #tpu.memory_space<hbm>>
        %dma_start3A_108 = arith.constant 0 : i32
        %dma_start3A_109 = tpu.memref_slice %arg23[%mul3A_103, %dma_start3A_108] : memref<5128x128xf32, #tpu.memory_space<vmem_shared>> -> memref<320x128xf32, #tpu.memory_space<vmem_shared>>
        tpu.enqueue_dma source(%dma_start3A_109 : memref<320x128xf32, #tpu.memory_space<vmem_shared>>) target(%dma_start3A_107 : memref<320x128xf32, #tpu.memory_space<hbm>>) target_semaphore(%run_scoped3A : memref<!tpu.dma_semaphore, #tpu.memory_space<semaphore_mem>>)
        %dma_wait3A = arith.constant 0 : i32
        %dma_wait3A_110 = tpu.memref_slice %arg9[%add3A_105, %dma_wait3A] : memref<102400x128xf32, #tpu.memory_space<hbm>> -> memref<320x128xf32, #tpu.memory_space<hbm>>
        %dma_wait3A_111 = arith.constant 0 : i32
        %dma_wait3A_112 = tpu.memref_slice %arg23[%mul3A_103, %dma_wait3A_111] : memref<5128x128xf32, #tpu.memory_space<vmem_shared>> -> memref<320x128xf32, #tpu.memory_space<vmem_shared>>
        tpu.wait_dma2 semaphore(%run_scoped3A : memref<!tpu.dma_semaphore, #tpu.memory_space<semaphore_mem>>) src(%dma_wait3A_112 : memref<320x128xf32, #tpu.memory_space<vmem_shared>>) dst(%dma_wait3A_110 : memref<320x128xf32, #tpu.memory_space<hbm>>)
        tpu.yield
      }) : () -> ()
      %barrier3A_106 = arith.constant 0 : index
      tpu.barrier barrier_id(%barrier3A_106)
    }
    %scan3A_10 = arith.constant 10 : i32
    return
  }
}

module attributes {stable_mosaic.version = 14 : i64} {
  func.func @_prep_body(%arg0: i32, %arg1: memref<1000x128xf32, #tpu.memory_space<vmem>>, %arg2: memref<1000x128xf32, #tpu.memory_space<vmem>>, %arg3: memref<128x128xf32, #tpu.memory_space<vmem>>, %arg4: memref<128x128xf32, #tpu.memory_space<vmem>>, %arg5: memref<1x128xf32, #tpu.memory_space<vmem>>, %arg6: memref<1000x128xf32, #tpu.memory_space<vmem>>, %arg7: memref<1000x128xf32, #tpu.memory_space<vmem>>) attributes {dimension_semantics = [#tpu.dimension_semantics<arbitrary>], iteration_bounds = array<i64: 100>, scalar_prefetch = 0 : i64, scratch_operands = 0 : i64, tpu.core_type = #tpu.core_type<tc>, window_params = [{transform_indices = @transform_0, window_bounds = array<i64: 1000, 128>}, {transform_indices = @transform_1, window_bounds = array<i64: 1000, 128>}, {pipeline_mode = #tpu.pipeline_mode<synchronous>, transform_indices = @transform_2, window_bounds = array<i64: 128, 128>}, {pipeline_mode = #tpu.pipeline_mode<synchronous>, transform_indices = @transform_3, window_bounds = array<i64: 128, 128>}, {pipeline_mode = #tpu.pipeline_mode<synchronous>, transform_indices = @transform_4, window_bounds = array<i64: 1, 128>}, {transform_indices = @transform_5, window_bounds = array<i64: 1000, 128>}, {transform_indices = @transform_6, window_bounds = array<i64: 1000, 128>}]} {
    %get3A = arith.constant 0 : index
    %get3A_0 = arith.constant 0 : index
    %get3A_1 = vector.load %arg1[%get3A, %get3A_0] : memref<1000x128xf32, #tpu.memory_space<vmem>>, vector<1000x128xf32>
    %get3A_2 = arith.constant 0 : index
    %get3A_3 = arith.constant 0 : index
    %get3A_4 = vector.load %arg3[%get3A_2, %get3A_3] : memref<128x128xf32, #tpu.memory_space<vmem>>, vector<128x128xf32>
    %dot_general3A = arith.constant dense<0.000000e+00> : vector<1000x128xf32>
    %dot_general3A_5 = tpu.matmul %get3A_1, %get3A_4, %dot_general3A {dimension_numbers = #tpu.dot_dimension_numbers<[1], [0], [0], [1], [0, 0, 1, 1], [], []>, precision = #tpu.contract_precision<fp32>, transpose_lhs_hint = false} : vector<1000x128xf32>, vector<128x128xf32>, vector<1000x128xf32> -> vector<1000x128xf32>
    %get3A_6 = arith.constant 0 : index
    %get3A_7 = arith.constant 0 : index
    %get3A_8 = vector.load %arg5[%get3A_6, %get3A_7] : memref<1x128xf32, #tpu.memory_space<vmem>>, vector<1x128xf32>
    %add3A = vector.broadcast %get3A_8 : vector<1x128xf32> to vector<1000x128xf32>
    %add3A_9 = arith.addf %dot_general3A_5, %add3A : vector<1000x128xf32>
    %swap3A = arith.constant 0 : index
    %swap3A_10 = arith.constant 0 : index
    %swap3A_11 = vector.load %arg6[%swap3A, %swap3A_10] : memref<1000x128xf32, #tpu.memory_space<vmem>>, vector<1000x128xf32>
    tpu.vector_store %arg6[%swap3A, %swap3A_10], %add3A_9 {strides = array<i32>} : memref<1000x128xf32, #tpu.memory_space<vmem>>, vector<1000x128xf32>,
    %get3A_12 = arith.constant 0 : index
    %get3A_13 = arith.constant 0 : index
    %get3A_14 = vector.load %arg2[%get3A_12, %get3A_13] : memref<1000x128xf32, #tpu.memory_space<vmem>>, vector<1000x128xf32>
    %get3A_15 = arith.constant 0 : index
    %get3A_16 = arith.constant 0 : index
    %get3A_17 = vector.load %arg4[%get3A_15, %get3A_16] : memref<128x128xf32, #tpu.memory_space<vmem>>, vector<128x128xf32>
    %dot_general3A_18 = arith.constant dense<0.000000e+00> : vector<1000x128xf32>
    %dot_general3A_19 = tpu.matmul %get3A_14, %get3A_17, %dot_general3A_18 {dimension_numbers = #tpu.dot_dimension_numbers<[1], [0], [0], [1], [0, 0, 1, 1], [], []>, precision = #tpu.contract_precision<fp32>, transpose_lhs_hint = false} : vector<1000x128xf32>, vector<128x128xf32>, vector<1000x128xf32> -> vector<1000x128xf32>
    %swap3A_20 = arith.constant 0 : index
    %swap3A_21 = arith.constant 0 : index
    %swap3A_22 = vector.load %arg7[%swap3A_20, %swap3A_21] : memref<1000x128xf32, #tpu.memory_space<vmem>>, vector<1000x128xf32>
    tpu.vector_store %arg7[%swap3A_20, %swap3A_21], %dot_general3A_19 {strides = array<i32>} : memref<1000x128xf32, #tpu.memory_space<vmem>>, vector<1000x128xf32>,
    return
  }
  func.func @transform_0(%arg0: i32) -> (i32, i32) {
    %c0_i32 = arith.constant 0 : i32
    %c0_i32_0 = arith.constant 0 : i32
    return %arg0, %c0_i32 : i32, i32
  }
  func.func @transform_1(%arg0: i32) -> (i32, i32) {
    %c0_i32 = arith.constant 0 : i32
    %c0_i32_0 = arith.constant 0 : i32
    return %arg0, %c0_i32 : i32, i32
  }
  func.func @transform_2(%arg0: i32) -> (i32, i32) {
    %c0_i32 = arith.constant 0 : i32
    %c0_i32_0 = arith.constant 0 : i32
    %c0_i32_1 = arith.constant 0 : i32
    return %c0_i32, %c0_i32_0 : i32, i32
  }
  func.func @transform_3(%arg0: i32) -> (i32, i32) {
    %c0_i32 = arith.constant 0 : i32
    %c0_i32_0 = arith.constant 0 : i32
    %c0_i32_1 = arith.constant 0 : i32
    return %c0_i32, %c0_i32_0 : i32, i32
  }
  func.func @transform_4(%arg0: i32) -> (i32, i32) {
    %c0_i32 = arith.constant 0 : i32
    %c0_i32_0 = arith.constant 0 : i32
    %c0_i32_1 = arith.constant 0 : i32
    return %c0_i32, %c0_i32_0 : i32, i32
  }
  func.func @transform_5(%arg0: i32) -> (i32, i32) {
    %c0_i32 = arith.constant 0 : i32
    %c0_i32_0 = arith.constant 0 : i32
    return %arg0, %c0_i32 : i32, i32
  }
  func.func @transform_6(%arg0: i32) -> (i32, i32) {
    %c0_i32 = arith.constant 0 : i32
    %c0_i32_0 = arith.constant 0 : i32
    return %arg0, %c0_i32 : i32, i32
  }
}

module attributes {stable_mosaic.version = 14 : i64} {
  func.func @_final_body(%arg0: i32, %arg1: memref<1000x128xf32, #tpu.memory_space<vmem>>, %arg2: memref<1000x128xf32, #tpu.memory_space<vmem>>, %arg3: memref<1000x128xf32, #tpu.memory_space<vmem>>, %arg4: memref<128x384xf32, #tpu.memory_space<vmem>>, %arg5: memref<128x384xf32, #tpu.memory_space<vmem>>, %arg6: memref<1x384xf32, #tpu.memory_space<vmem>>, %arg7: memref<1000x128xf32, #tpu.memory_space<vmem>>, %arg8: memref<1000x128xf32, #tpu.memory_space<vmem>>) attributes {dimension_semantics = [#tpu.dimension_semantics<arbitrary>], iteration_bounds = array<i64: 100>, scalar_prefetch = 0 : i64, scratch_operands = 0 : i64, tpu.core_type = #tpu.core_type<tc>, window_params = [{transform_indices = @transform_0, window_bounds = array<i64: 1000, 128>}, {transform_indices = @transform_1, window_bounds = array<i64: 1000, 128>}, {transform_indices = @transform_2, window_bounds = array<i64: 1000, 128>}, {pipeline_mode = #tpu.pipeline_mode<synchronous>, transform_indices = @transform_3, window_bounds = array<i64: 128, 384>}, {pipeline_mode = #tpu.pipeline_mode<synchronous>, transform_indices = @transform_4, window_bounds = array<i64: 128, 384>}, {pipeline_mode = #tpu.pipeline_mode<synchronous>, transform_indices = @transform_5, window_bounds = array<i64: 1, 384>}, {transform_indices = @transform_6, window_bounds = array<i64: 1000, 128>}, {transform_indices = @transform_7, window_bounds = array<i64: 1000, 128>}]} {
    %get3A = arith.constant 0 : index
    %get3A_0 = arith.constant 0 : index
    %get3A_1 = vector.load %arg1[%get3A, %get3A_0] : memref<1000x128xf32, #tpu.memory_space<vmem>>, vector<1000x128xf32>
    %get3A_2 = arith.constant 0 : index
    %get3A_3 = arith.constant 0 : index
    %get3A_4 = vector.load %arg4[%get3A_2, %get3A_3] : memref<128x384xf32, #tpu.memory_space<vmem>>, vector<128x384xf32>
    %dot_general3A = arith.constant dense<0.000000e+00> : vector<1000x384xf32>
    %dot_general3A_5 = tpu.matmul %get3A_1, %get3A_4, %dot_general3A {dimension_numbers = #tpu.dot_dimension_numbers<[1], [0], [0], [1], [0, 0, 1, 1], [], []>, precision = #tpu.contract_precision<fp32>, transpose_lhs_hint = false} : vector<1000x128xf32>, vector<128x384xf32>, vector<1000x384xf32> -> vector<1000x384xf32>
    %get3A_6 = arith.constant 0 : index
    %get3A_7 = arith.constant 0 : index
    %get3A_8 = vector.load %arg3[%get3A_6, %get3A_7] : memref<1000x128xf32, #tpu.memory_space<vmem>>, vector<1000x128xf32>
    %get3A_9 = arith.constant 0 : index
    %get3A_10 = arith.constant 0 : index
    %get3A_11 = vector.load %arg5[%get3A_9, %get3A_10] : memref<128x384xf32, #tpu.memory_space<vmem>>, vector<128x384xf32>
    %dot_general3A_12 = arith.constant dense<0.000000e+00> : vector<1000x384xf32>
    %dot_general3A_13 = tpu.matmul %get3A_8, %get3A_11, %dot_general3A_12 {dimension_numbers = #tpu.dot_dimension_numbers<[1], [0], [0], [1], [0, 0, 1, 1], [], []>, precision = #tpu.contract_precision<fp32>, transpose_lhs_hint = false} : vector<1000x128xf32>, vector<128x384xf32>, vector<1000x384xf32> -> vector<1000x384xf32>
    %add3A = arith.addf %dot_general3A_5, %dot_general3A_13 : vector<1000x384xf32>
    %get3A_14 = arith.constant 0 : index
    %get3A_15 = arith.constant 0 : index
    %get3A_16 = vector.load %arg6[%get3A_14, %get3A_15] : memref<1x384xf32, #tpu.memory_space<vmem>>, vector<1x384xf32>
    %add3A_17 = vector.broadcast %get3A_16 : vector<1x384xf32> to vector<1000x384xf32>
    %add3A_18 = arith.addf %add3A, %add3A_17 : vector<1000x384xf32>
    %slice3A = vector.extract_strided_slice %add3A_18 {offsets = [0, 0], sizes = [1000, 128], strides = [1, 1]} : vector<1000x384xf32> to vector<1000x128xf32>
    %logistic3A = arith.negf %slice3A : vector<1000x128xf32>
    %logistic3A_19 = math.exp %logistic3A : vector<1000x128xf32>
    %logistic3A_20 = arith.constant 1.000000e+00 : f32
    %logistic3A_21 = vector.broadcast %logistic3A_20 : f32 to vector<1000x128xf32>
    %logistic3A_22 = arith.addf %logistic3A_21, %logistic3A_19 : vector<1000x128xf32>
    %logistic3A_23 = arith.divf %logistic3A_21, %logistic3A_22 : vector<1000x128xf32>
    %slice3A_24 = vector.extract_strided_slice %add3A_18 {offsets = [0, 128], sizes = [1000, 128], strides = [1, 1]} : vector<1000x384xf32> to vector<1000x128xf32>
    %logistic3A_25 = arith.negf %slice3A_24 : vector<1000x128xf32>
    %logistic3A_26 = math.exp %logistic3A_25 : vector<1000x128xf32>
    %logistic3A_27 = arith.constant 1.000000e+00 : f32
    %logistic3A_28 = vector.broadcast %logistic3A_27 : f32 to vector<1000x128xf32>
    %logistic3A_29 = arith.addf %logistic3A_28, %logistic3A_26 : vector<1000x128xf32>
    %logistic3A_30 = arith.divf %logistic3A_28, %logistic3A_29 : vector<1000x128xf32>
    %slice3A_31 = vector.extract_strided_slice %add3A_18 {offsets = [0, 256], sizes = [1000, 128], strides = [1, 1]} : vector<1000x384xf32> to vector<1000x128xf32>
    %tanh3A = math.tanh %slice3A_31 : vector<1000x128xf32>
    %mul3A = arith.mulf %logistic3A_23, %tanh3A : vector<1000x128xf32>
    %get3A_32 = arith.constant 0 : index
    %get3A_33 = arith.constant 0 : index
    %get3A_34 = vector.load %arg2[%get3A_32, %get3A_33] : memref<1000x128xf32, #tpu.memory_space<vmem>>, vector<1000x128xf32>
    %add3A_35 = arith.addf %mul3A, %get3A_34 : vector<1000x128xf32>
    %tanh3A_36 = math.tanh %add3A_35 : vector<1000x128xf32>
    %mul3A_37 = arith.mulf %logistic3A_30, %tanh3A_36 : vector<1000x128xf32>
    %swap3A = arith.constant 0 : index
    %swap3A_38 = arith.constant 0 : index
    %swap3A_39 = vector.load %arg7[%swap3A, %swap3A_38] : memref<1000x128xf32, #tpu.memory_space<vmem>>, vector<1000x128xf32>
    tpu.vector_store %arg7[%swap3A, %swap3A_38], %mul3A_37 {strides = array<i32>} : memref<1000x128xf32, #tpu.memory_space<vmem>>, vector<1000x128xf32>,
    %swap3A_40 = arith.constant 0 : index
    %swap3A_41 = arith.constant 0 : index
    %swap3A_42 = vector.load %arg8[%swap3A_40, %swap3A_41] : memref<1000x128xf32, #tpu.memory_space<vmem>>, vector<1000x128xf32>
    tpu.vector_store %arg8[%swap3A_40, %swap3A_41], %add3A_35 {strides = array<i32>} : memref<1000x128xf32, #tpu.memory_space<vmem>>, vector<1000x128xf32>,
    return
  }
  func.func @transform_0(%arg0: i32) -> (i32, i32) {
    %c0_i32 = arith.constant 0 : i32
    %c0_i32_0 = arith.constant 0 : i32
    return %arg0, %c0_i32 : i32, i32
  }
  func.func @transform_1(%arg0: i32) -> (i32, i32) {
    %c0_i32 = arith.constant 0 : i32
    %c0_i32_0 = arith.constant 0 : i32
    return %arg0, %c0_i32 : i32, i32
  }
  func.func @transform_2(%arg0: i32) -> (i32, i32) {
    %c0_i32 = arith.constant 0 : i32
    %c0_i32_0 = arith.constant 0 : i32
    return %arg0, %c0_i32 : i32, i32
  }
  func.func @transform_3(%arg0: i32) -> (i32, i32) {
    %c0_i32 = arith.constant 0 : i32
    %c0_i32_0 = arith.constant 0 : i32
    %c0_i32_1 = arith.constant 0 : i32
    return %c0_i32, %c0_i32_0 : i32, i32
  }
  func.func @transform_4(%arg0: i32) -> (i32, i32) {
    %c0_i32 = arith.constant 0 : i32
    %c0_i32_0 = arith.constant 0 : i32
    %c0_i32_1 = arith.constant 0 : i32
    return %c0_i32, %c0_i32_0 : i32, i32
  }
  func.func @transform_5(%arg0: i32) -> (i32, i32) {
    %c0_i32 = arith.constant 0 : i32
    %c0_i32_0 = arith.constant 0 : i32
    %c0_i32_1 = arith.constant 0 : i32
    return %c0_i32, %c0_i32_0 : i32, i32
  }
  func.func @transform_6(%arg0: i32) -> (i32, i32) {
    %c0_i32 = arith.constant 0 : i32
    %c0_i32_0 = arith.constant 0 : i32
    return %arg0, %c0_i32 : i32, i32
  }
  func.func @transform_7(%arg0: i32) -> (i32, i32) {
    %c0_i32 = arith.constant 0 : i32
    %c0_i32_0 = arith.constant 0 : i32
    return %arg0, %c0_i32 : i32, i32
  }
}

</mosaic_0001>

<sc_bundles>
// kernel: kernel.5.cloned.1.call-start
scs
__scs_entry_jumppad:
0x0: {  	(pc) =	sbr.rel $0x88, $3  }
0x1: {  	(tag) =	ssettag $0x0;
	lr =	simm.s32 $0x1  }
0x2: {  	[smem:$0x3F95] =	sst lr;
	_ =	strace $0xD0000000  }
0x3: {  	_ = 	snop  }
0x4: {  	_ = 	snop  }
0x5: {  	_ = 	snop  }
0x6: {  	_ = 	snop  }
0x7: {  	_ = 	snop  }
__scs_overlays_trampoline_lowered:
0x8: {  	[smem:$0x3FA4] =	sst s0  }
0x9: {  	[smem:$0x3FA5] =	sst s1  }
0xa: {  	[smem:$0x3FA6] =	sst s2  }
0xb: {  	[smem:$0x3FA7] =	sst s3  }
0xc: {  	[smem:$0x3FA8] =	sst s4  }
0xd: {  	[smem:$0x3FA9] =	sst s5  }
0xe: {  	[smem:$0x3FAA] =	sst s6  }
0xf: {  	[smem:$0x3FAB] =	sst s7  }
0x10: {  	[smem:$0x3FAC] =	sst s8  }
0x11: {  	[smem:$0x3FAD] =	sst s9;
	s0 =	simm.s32 @!p0 $0x0  }
0x12: {  	s1 =	sld [smem:$0x3F93];
	s0 =	simm.s32 @p0 $0x1  }
0x13: {  	[smem:$0x3FAE] =	sst s0;
	s0 =	simm.s32 @!p1 $0x0  }
0x14: {  	s2 =	sld [smem:$0x3F92];
	s0 =	simm.s32 @p1 $0x1  }
0x15: {  	[smem:$0x3FAF] =	sst s0;
	s0 =	simm.s32 @!p2 $0x0  }
0x16: {  	s3 =	sld [smem:$0x3FDB];
	s0 =	simm.s32 @p2 $0x1  }
0x17: {  	s4 =	simm.s32 $0x1BF5;
	[smem:$0x3FB1] =	sst s0  }
0x18: {  	s0 =	sld [smem:$0x3F94];
	_ =	swait.ge [sflag:s4], $0x0  }
0x19: {  	s7 =	sld [smem:$0x3F95]  }
0x1a: {  	s8 =	sadd.s32 $0xFFFFE003, lr  }
0x1b: {  	s9 =	sadd.s32 $0xFFFFFEF7, lr;
	s5 =	simm.s32 $0xFFFFFFFF;
	p2 =	slt.u32 s8, $0xFFFFF086  }
0x1c: {  	p1 =	slt.u32 s9, $0xF7A;
	s5 =	simm.s32 @!p2 $0x0  }
0x1d: {  	s5 =	simm.s32 @p1 $0x1;
	p0 =	seq.s32 s7, s2  }
0x1e: {  	s7 =	smul.u32 @!p0 $0xF7A, s2;
	p2 =	seq.s32 @!p0 s5, $0x0  }
0x1f: {  	s9 =	smul.u32 $0xF7A, s1;
	s8 =	simm.s32 @!p0 $0x1BF5;
	p2 =	por !p2, p0  }
0x20: {  	[sflag:s8] =	ssyncset.s32 @!p0 $0xFFFFF086;
	s6 =	sadd.s32 @!p0 s3, s7;
	s7 =	simm.s32 @!p0 $0x108  }
0x21: {  	s3 =	sadd.s32 s3, s9;
	s6 =	sadd.s32 @!p0 $0x88, s6;
	s7 =	simm.s32 @p2 $0x1082  }
0x22: {  	[simem:s7], [sflag:s8] =	dma.local @!p0 [hbm:s6], $0xF7A  }
0x23: {  	s9 =	sor.u32 $0xD0000000, s2;
	s6 =	simm.s32 $0x108;
	_ =	swait.ge @!p0 [sflag:s8], $0x0  }
0x24: {  	s3 =	sadd.s32 $0x88, s3;
	s6 =	simm.s32 @!p1 $0x1082;
	[sflag:s4] =	ssyncset.s32 $0xFFFFF086  }
0x25: {  	[simem:s6], [sflag:s4] =	dma.local [hbm:s3], $0xF7A  }
0x26: {  	[smem:$0x3F95] =	sst s1;
	(tag) =	ssettag s2;
	_ =	strace s9  }
0x27: {  	s1 =	sld [smem:$0x3FA5]  }
0x28: {  	s2 =	sld [smem:$0x3FA6]  }
0x29: {  	s4 =	sld [smem:$0x3FA8]  }
0x2a: {  	p0 =	seq.s32 s5, $0x0;
	s5 =	sld [smem:$0x3FA9]  }
0x2b: {  	s6 =	sld [smem:$0x3FAA]  }
0x2c: {  	s7 =	sld [smem:$0x3FAB]  }
0x2d: {  	s3 =	simm.s32 $0x108;
	s8 =	sld [smem:$0x3FAC]  }
0x2e: {  	s3 =	simm.s32 @!p0 $0x1082;
	s9 =	sld [smem:$0x3FAD]  }
0x2f: {  	lr =	sadd.s32 s0, s3;
	s0 =	sld [smem:$0x3FA4]  }
0x30: {  	s3 =	sld [smem:$0x3FA7]  }
0x31: {  	[smem:$0x3FB0] =	sst s10  }
0x32: {  	s10 =	sld [smem:$0x3FAE];
	_ =	sdelay $0x3  }
0x33: {  	p0 =	seq.s32 s10, $0x1;
	s10 =	sld [smem:$0x3FB0];
	_ =	sdelay $0x3  }
0x34: {  	[smem:$0x3FB0] =	sst s10  }
0x35: {  	s10 =	sld [smem:$0x3FAF];
	_ =	sdelay $0x3  }
0x36: {  	p1 =	seq.s32 s10, $0x1;
	s10 =	sld [smem:$0x3FB0];
	_ =	sdelay $0x3  }
0x37: {  	[smem:$0x3FB0] =	sst s10  }
0x38: {  	s10 =	sld [smem:$0x3FB1]  }
0x39: {  	_ = 	snop;
	(pc) =	sbr.ind lr, $3  }
0x3a: {  	_ = 	snop  }
0x3b: {  	_ = 	snop  }
0x3c: {  	p2 =	seq.s32 s10, $0x1;
	s10 =	sld [smem:$0x3FB0]  }
0x3d: {  	_ =	shalt  }
0x3e: {  	_ =	shalt  }
0x3f: {  	_ =	shalt  }
0x40: {  	_ =	shalt  }
0x41: {  	_ =	shalt  }
0x42: {  	_ =	shalt  }
0x43: {  	_ =	shalt  }
0x44: {  	_ =	shalt  }
0x45: {  	_ =	shalt  }
0x46: {  	_ =	shalt  }
0x47: {  	_ =	shalt  }
0x48: {  	_ =	shalt  }
0x49: {  	_ =	shalt  }
0x4a: {  	_ =	shalt  }
0x4b: {  	_ =	shalt  }
0x4c: {  	_ =	shalt  }
0x4d: {  	_ =	shalt  }
0x4e: {  	_ =	shalt  }
0x4f: {  	_ =	shalt  }
0x50: {  	_ =	shalt  }
0x51: {  	_ =	shalt  }
0x52: {  	_ =	shalt  }
0x53: {  	_ =	shalt  }
0x54: {  	_ =	shalt  }
0x55: {  	_ =	shalt  }
0x56: {  	_ =	shalt  }
0x57: {  	_ =	shalt  }
0x58: {  	_ =	shalt  }
0x59: {  	_ =	shalt  }
0x5a: {  	_ =	shalt  }
0x5b: {  	_ =	shalt  }
0x5c: {  	_ =	shalt  }
0x5d: {  	_ =	shalt  }
0x5e: {  	_ =	shalt  }
0x5f: {  	_ =	shalt  }
0x60: {  	_ =	shalt  }
0x61: {  	_ =	shalt  }
0x62: {  	_ =	shalt  }
0x63: {  	_ =	shalt  }
0x64: {  	_ =	shalt  }
0x65: {  	_ =	shalt  }
0x66: {  	_ =	shalt  }
0x67: {  	_ =	shalt  }
0x68: {  	_ =	shalt  }
0x69: {  	_ =	shalt  }
0x6a: {  	_ =	shalt  }
0x6b: {  	_ =	shalt  }
0x6c: {  	_ =	shalt  }
0x6d: {  	_ =	shalt  }
0x6e: {  	_ =	shalt  }
0x6f: {  	_ =	shalt  }
0x70: {  	_ =	shalt  }
0x71: {  	_ =	shalt  }
0x72: {  	_ =	shalt  }
0x73: {  	_ =	shalt  }
0x74: {  	_ =	shalt  }
0x75: {  	_ =	shalt  }
0x76: {  	_ =	shalt  }
0x77: {  	_ =	shalt  }
0x78: {  	_ =	shalt  }
0x79: {  	_ =	shalt  }
0x7a: {  	_ =	shalt  }
0x7b: {  	_ =	shalt  }
0x7c: {  	_ =	shalt  }
0x7d: {  	_ =	shalt  }
0x7e: {  	_ =	shalt  }
0x7f: {  	_ =	shalt  }
0x80: {  	_ =	shalt  }
0x81: {  	_ =	shalt  }
0x82: {  	_ =	shalt  }
0x83: {  	_ =	shalt  }
0x84: {  	_ =	shalt  }
0x85: {  	_ =	shalt  }
0x86: {  	_ =	shalt  }
0x87: {  	_ =	shalt  }
.Lfunc_end0:
.L_simem_size_0:
called_computation_lowered:
.L_overlay_start_0:
0x88: {  	s2 =	sld [smem:$0x3FD9]  }
0x89: {  	s3 =	sld [smem:$0x3FFE];
	_ =	sdelay $0x1  }
0x8a: {  	s1 =	srdreg.scid  }
0x8b: {  	s0 =	sand.u32 $0x1, s1  }
0x8c: {  	s14 =	sshll.u32 s0, $0xA;
	s2 =	sadd.s32 s3, s2  }
0x8d: {  	s2 =	sadd.s32 s2, s14  }
0x8e: {  	[smem:$0x3FBC] =	sst s2  }
0x8f: {  	_ = 	snop  }
0x90: {  	s2 =	sld [smem:$0x3FD0];
	_ =	sdelay $0x1  }
0x91: {  	s15 =	sld [smem:$0x3FC8]  }
0x92: {  	s5 =	simm.s32 $0xA;
	s6 =	simm.s32 $0x10;
	s4 =	sld [smem:$0x3FC7]  }
0x93: {  	[smem:s6], [sflag:s5] =	dma.local [hbm:s2], $0x1  }
0x94: {  	_ =	swait.eq [sflag:s5], $0x1  }
0x95: {  	[sflag:s5] =	ssyncset.done $0x0  }
0x96: {  	s16 =	sld [smem:$0x10];
	[sflag:s5] =	ssyncadd.s32 $0xFFFFFFFF  }
0x97: {  	s17 =	sld [smem:$0x11];
	(tm) =	ssettm $0x1  }
0x98: {  	s18 =	sld [smem:$0x3FFB];
	_ =	sdelay $0x3  }
0x99: {  	_ =	strace s18  }
0x9a: {  	s6 =	sld [smem:$0x3FFC];
	_ =	sdelay $0x3  }
0x9b: {  	_ =	strace s6  }
0x9c: {  	s6 =	sld [smem:$0x3FFD];
	_ =	sdelay $0x3  }
0x9d: {  	_ =	strace s6  }
0x9e: {  	_ =	strace $0x8FFFFFFF  }
0x9f: {  	s19 =	sld [smem:$0x3FDB];
	_ =	sdelay $0x1  }
0xa0: {  	s7 =	simm.s32 $_scs_section_size  }
0xa1: {  	s8 =	simm.s32 $_size__tile_overlayer_lowered;
	s9 =	simm.s32 $_tile_overlayer_lowered  }
0xa2: {  	s22 =	simm.s32 $0x1BFF;
	s21 =	sshll.u32 s9, $0x1;
	s6 =	sadd.s32 s7, s19  }
0xa3: {  	s10 =	simm.s32 $0x0;
	s20 =	sshll.u32 s8, $0x1;
	s8 =	sadd.s32 s21, s6  }
0xa4: {  	[timem:s10], [sflag:s22] =	dma.local [hbm:s8], s20  }
0xa5: {  	_ =	swait.ge [sflag:s22], s20  }
0xa6: {  	s7 =	ssub.s32 $0x0, s20;
	[sflag:s22] =	ssyncset.done $0x0  }
0xa7: {  	[sflag:s22] =	ssyncadd.s32 s7;
	_ =	sdelay $0x1  }
0xa8: {  	s23 =	simm.s32 $0x1B8B  }
0xa9: {  	_ =	swait.ge [sflag:s23], $0x1  }
0xaa: {  	[sflag:s23] =	ssyncset.done $0x0  }
0xab: {  	s25 =	simm.s32 $0x1B8E;
	s24 =	sld [smem:$0x3FFE];
	[sflag:s23] =	ssyncadd.s32 $0xFFFFFFFF  }
0xac: {  	s26 =	simm.s32 $execute0_lowered;
	[smem:$0x3FD2] =	sst s25  }
0xad: {  	s8 =	sshll.u32 s26, $0x1;
	_ =	strace $0x80000046;
	[dreg:$0x1] =	wrdreg $0xFFFFFFFF  }
0xae: {  	s28 =	simm.s32 $_size_execute0_lowered;
	s6 =	sadd.s32 s6, s8;
	[dreg:$0x0] =	wrdreg $0x0  }
0xaf: {  	s8 =	sshll.u32 s28, $0x1;
	[dreg:$0x2] =	wrdreg s6  }
0xb0: {  	[dreg:$0x3] =	wrdreg s8  }
0xb1: {  	[dreg:$0x4] =	wrdreg $0xC0  }
0xb2: {  	_ =	task [dreg:s10], $0x5FFFF  }
0xb3: {  	[dreg:$0x1] =	wrdreg $0xFFFFFFFF  }
0xb4: {  	[dreg:$0x0] =	wrdreg $0x60  }
0xb5: {  	[dreg:$0x2] =	wrdreg s24  }
0xb6: {  	[dreg:$0x3] =	wrdreg s15  }
0xb7: {  	[dreg:$0x4] =	wrdreg s4  }
0xb8: {  	[dreg:$0x5] =	wrdreg s17  }
0xb9: {  	[dreg:$0x6] =	wrdreg s16  }
0xba: {  	[dreg:$0x7] =	wrdreg $0x9B800  }
0xbb: {  	[dreg:$0x8] =	wrdreg $0x13BC00  }
0xbc: {  	[dreg:$0x9] =	wrdreg $0x9  }
0xbd: {  	_ =	task.clear_ibuf [dreg:s10], $0xAFFFF;
	_ =	strace $0x90000046  }
0xbe: {  	s29 =	simm.s32 $0x9;
	_ =	strace $0x80000048  }
0xbf: {  	_ =	swait.ge [sflag:s29], $0x1  }
0xc0: {  	[sflag:s29] =	ssyncadd.s32 $0xFFFFFFFF  }
0xc1: {  	_ =	strace $0x90000048  }
0xc2: {  	_ =	sfence  }
0xc3: {  	s30 =	sld [smem:$0x0];
	_ =	sdelay $0x2  }
0xc4: {  	s31 =	sshll.u32 s1, $0xD;
	s1 =	sshrl.u32 s1, $0x2  }
0xc5: {  	s3 =	sand.u32 $0x4000, s31;
	s1 =	sadd.s32 s1, s30  }
0xc6: {  	s0 =	sor.u32 s3, s0;
	s1 =	sshll.u32 s1, $0x11  }
0xc7: {  	s0 =	sor.u32 s1, s0  }
0xc8: {  	s0 =	sadd.s32 $0x8F2B, s0  }
0xc9: {  	[sflag:s0] =	ssyncadd.remote.s32 $0x1  }
0xca: {  	_ =	sfence.sel $0xFFFF  }
0xcb: {  	[dreg:$0x0] =	wrdreg $0xFFFFFFFF;
	(pc) =	sbr.abs _section_cstart, $3  }
0xcc: {  	[dreg:$0x1] =	wrdreg $0xFFFFFFFF  }
0xcd: {  	_ =	task.clear_ibuf [dreg:s10], $0x2FFFF;
	_ =	strace $0x9FFFFFFF  }
0xce: {  	(tm) =	ssettm $0x7FFFFFFF  }
0xcf: {  	_ =	shalt  }
tec
execute0_lowered:
.L_overlay_start_1:
0x0: {  	(tag) =	ssettag $0x1  }
0x1: {  	s1 =	rddreg [dreg:$0x0]  }
0x2: {  	s0 =	rddreg [dreg:$0x1]  }
0x3: {  	s2 =	rddreg [dreg:$0x2]  }
0x4: {  	s4 =	rddreg [dreg:$0x3]  }
0x5: {  	s5 =	rddreg [dreg:$0x4]  }
0x6: {  	s6 =	rddreg [dreg:$0x5]  }
0x7: {  	s7 =	rddreg [dreg:$0x6];
	s11 =	stileid.u32  }
0x8: {  	s9 =	simm.s32 $0x0;
	s17 =	srdreg.scid;
	s28 =	simm.s32 $0x0  }
0x9: {  	s3 =	sshrl.u32 s11, $0x3;
	s8 =	sshll.u32 s11, $0x7;
	[smem:$0x7FF] =	sst s9  }
0xa: {  	s18 =	sand.u32 $0x1, s17;
	s9 =	smul.u32 $0xA000, s11;
	s10 =	sadd.s32 $0x6C00, s1  }
0xb: {  	s3 =	smul.u32 $0xC400, s3;
	_ =	strace $0x80000047;
	[dreg:$0x8] =	wrdreg s18  }
0xc: {  	s8 =	sand.u32 $0x380, s8;
	[dreg:$0x9] =	wrdreg s10;
	s20 =	sor.u32 $0x1000, s9  }
0xd: {  	s24 =	sadd.s32 $0x2000, s9;
	s25 =	sadd.s32 $0x3000, s9;
	s12 =	sadd.s32 $0x4000, s9  }
0xe: {  	s13 =	sadd.s32 $0x5000, s9;
	s17 =	sadd.s32 $0x6000, s9;
	s22 =	sadd.s32 s20, s6  }
0xf: {  	s29 =	sadd.s32 s9, s6;
	s23 =	sadd.s32 s20, s7;
	[dreg:$0xd] =	wrdreg s22  }
0x10: {  	s30 =	sadd.s32 s9, s7;
	s26 =	sadd.s32 s24, s6;
	[dreg:$0xe] =	wrdreg s23  }
0x11: {  	s3 =	sor.u32 s8, s3;
	s31 =	sadd.s32 s25, s6;
	[dreg:$0xf] =	wrdreg s26  }
0x12: {  	s8 =	ssub.s32 $0x2, s18;
	s10 =	sadd.s32 s25, s7;
	[dreg:$0x11] =	wrdreg s31  }
0x13: {  	s14 =	sadd.s32 s12, s6;
	s15 =	sadd.s32 s13, s6;
	[dreg:$0x12] =	wrdreg s10  }
0x14: {  	s16 =	sadd.s32 s13, s7;
	s18 =	sadd.s32 $0x7000, s9;
	[dreg:$0x13] =	wrdreg s14  }
0x15: {  	s3 =	sshrl.u32 s3, $0x3;
	s19 =	sshrl.u32 s8, $0x1;
	[dreg:$0x15] =	wrdreg s15  }
0x16: {  	[dreg:$0x16] =	wrdreg s16;
	s20 =	sadd.s32 s18, s6;
	s22 =	sadd.s32 $0x8000, s9  }
0x17: {  	s23 =	sadd.s32 $0x9000, s9;
	s31 =	smul.u32 $0x140, s11;
	s9 =	simm.s32 $0x1880  }
0x18: {  	s3 =	sadd.s32 s3, s1;
	s1 =	sadd.s32 $0x196C00, s1;
	[dreg:$0x19] =	wrdreg s20  }
0x19: {  	s10 =	simm.s32 $0x8B80;
	s25 =	sadd.s32 s23, s6;
	[dreg:$0xa] =	wrdreg s1  }
0x1a: {  	s11 =	simm.s32 $0x3100;
	s26 =	sadd.s32 s23, s7;
	[dreg:$0x1d] =	wrdreg s25  }
0x1b: {  	s14 =	simm.s32 $0x1;
	s15 =	simm.s32 $0x20;
	[dreg:$0x1e] =	wrdreg s26  }
0x1c: {  	s16 =	simm.s32 $0x4A00;
	s21 =	sadd.s32 $0x800, s3;
	[smem:$0x7FD] =	sst s31  }
0x1d: {  	s20 =	simm.s32 $0x4A80;
	s3 =	sadd.s32 $0x3A00, s3;
	[dreg:$0xb] =	wrdreg s21  }
0x1e: {  	s1 =	ssub.s32 s8, s19;
	s19 =	sadd.s32 s17, s6;
	[dreg:$0xc] =	wrdreg s3  }
0x1f: {  	s23 =	simm.s32 $0x0;
	s3 =	sadd.s32 s24, s7;
	[dreg:$0x17] =	wrdreg s19  }
0x20: {  	s8 =	simm.s32 $0x0;
	s21 =	sadd.s32 s18, s7;
	[dreg:$0x10] =	wrdreg s3  }
0x21: {  	s24 =	sadd.s32 s22, s6;
	s1 =	smax.u32 s1, $0x1;
	[dreg:$0x1a] =	wrdreg s21  }
.Ltmp0:
0x22: {  	s18 =	simm.s32 $0x5B80;
	[dreg:$0x1b] =	wrdreg s24;
	(pc) =	sbr.rel .LBB2_1-.Ltmp0, $4  }
0x23: {  	s19 =	simm.s32 $0x6B80;
	s3 =	sadd.s32 s12, s7;
	[dreg:$0x1f] =	wrdreg s1  }
0x24: {  	s21 =	simm.s32 $0x7B80;
	[dreg:$0x14] =	wrdreg s3;
	s3 =	sadd.s32 s17, s7  }
0x25: {  	v0 =	vimm.f32 $0.0e+00;
	v1 =	vlaneseq.u32;
	s17 =	simm.s32 $0x4B80;
	[dreg:$0x18] =	wrdreg s3;
	s3 =	sadd.s32 s22, s7  }
0x26: {  	v4 =	vimm.s32 $0x187F;
	v2 =	vor.u32 $0x80000010, v1;
	v3 =	vor.u32 $0x80000000, v1;
	s22 =	simm.s32 $0x4B00;
	[dreg:$0x1c] =	wrdreg s3;
	s3 =	simm.s32 $0x2  }
.LBB2_11:
0x27: {  	s8 =	sld [smem:$0x7FC];
	_ =	sdelay $0x2  }
0x28: {  	s1 =	rddreg [dreg:$0x1f];
	s8 =	sadd.s32 $0x1, s8  }
0x29: {  	p0 =	sne.s32 s8, s1  }
.Ltmp1:
0x2a: {  	_ = 	snop;
	(pc) =	sbr.rel @!p0 .LBB2_12-.Ltmp1, $1  }
0x2b: {  	_ =	sdelay $0x3  }
.LBB2_1:
0x2c: {  	[smem:$0x7FC] =	sst s8;
	s24 =	simm.s32 $0x0  }
0x2d: {  	s1 =	rddreg [dreg:$0xb];
	s12 =	simm.s32 $0x80;
	s13 =	simm.s32 $0x400  }
0x2e: {  	[tilespmem:s24], [sflag:$0x2] =	stream.strided.gather [hbm4b:s1+s12], $0x1880, s13, s12, $0x38;
	[tilespmem:$0x1DC00] =	vst v63  }
0x2f: {  	_ =	swait.ge [sflag:s3], $0x1880  }
0x30: {  	[sflag:s3] =	ssyncset.done $0x0  }
0x31: {  	s25 =	rddreg [dreg:$0xc];
	[sflag:s3] =	ssyncadd.s32 $0xFFFFE780  }
0x32: {  	[tilespmem:s9], [sflag:$0x2] =	stream.strided.gather [hbm4b:s25+s12], $0x1880, s13, s12, $0x38;
	[tilespmem:$0x1DC00] =	vst v63  }
0x33: {  	s26 =	sand.u32 $0x3E00, s24;
	s8 =	sand.u32 $0x70, s24;
	_ =	swait.ge [sflag:s3], $0x1880  }
0x34: {  	s1 =	simm.s32 $0x40;
	s31 =	sshrl.u32 s26, $0x2;
	[sflag:s3] =	ssyncset.done $0x0  }
0x35: {  	s12 =	sor.u32 s8, s31;
	s8 =	simm.s32 $0x0;
	[sflag:s3] =	ssyncadd.s32 $0xFFFFE780  }
.LBB2_2:
0x36: {  	p0 =	sne.s32 s1, $0x3FC0  }
0x37: {  	[tilespmem:s12+$0x8B80] =	vst v0;
	s8 =	sadd.s32 $0x10, s8;
	s12 =	smov.u32 s1;
	s1 =	sadd.s32 $0x40, s1  }
.Ltmp2:
0x38: {  	(pc) =	sbr.rel @p0 .LBB2_2-.Ltmp2, $4  }
0x39: {  	_ = 	snop  }
0x3a: {  	s12 =	sand.u32 $0x3E00, s12  }
0x3b: {  	s13 =	sand.u32 $0x70, s8;
	s12 =	sshrl.u32 s12, $0x2  }
0x3c: {  	s12 =	sor.u32 s13, s12  }
.Ltmp3:
0x3d: {  	(pc) =	sbr.rel .LBB2_4-.Ltmp3, $2  }
0x3e: {  	_ =	sdelay $0x2  }
0x3f: {  	[tilespmem:s12+$0x8B80] =	vst v0;
	s24 =	simm.s32 $0x0  }
.LBB2_10:
0x40: {  	s1 =	sld [smem:$0x7FD];
	_ =	sdelay $0x2  }
0x41: {  	[bflag:$0x0] =	sbarrier.arrive $0xFFFF;
	s8 =	stileid.u32;
	s1 =	sadd.s32 s1, s25  }
0x42: {  	s8 =	sshll.u32 s8, $0x6;
	s12 =	rddreg [dreg:$0x9];
	s1 =	sshll.u32 s1, $0x4  }
0x43: {  	s13 =	sshrl.u32 s29, $0x3;
	s8 =	sor.u32 $0x1C02, s8;
	s12 =	sadd.s32 s12, s1  }
0x44: {  	[hbm:s12], [sflag:s8] =	dma.local [spmem:s13], $0x1400  }
0x45: {  	s31 =	sshrl.u32 s30, $0x3;
	_ =	swait.ge [sflag:s3], $0x1400  }
0x46: {  	s24 =	sadd.s32 $0x1, s24;
	[sflag:s3] =	ssyncset.done $0x0;
	s26 =	rddreg [dreg:$0xa]  }
0x47: {  	p0 =	sne.s32 s24, $0xA;
	[sflag:s3] =	ssyncadd.s32 $0xFFFFEC00;
	s1 =	sadd.s32 s26, s1  }
0x48: {  	[hbm:s1], [sflag:s8] =	dma.local [spmem:s31], $0x1400  }
.Ltmp4:
0x49: {  	_ =	swait.ge [sflag:s3], $0x1400;
	(pc) =	sbr.rel @!p0 .LBB2_11-.Ltmp4, $3  }
0x4a: {  	[sflag:s3] =	ssyncset.done $0x0  }
0x4b: {  	[sflag:s3] =	ssyncadd.s32 $0xFFFFEC00  }
0x4c: {  	[bflag:$0x0] =	sbarrier.arrive $0xFFFF;
	_ =	sdelay $0x1  }
.LBB2_4:
0x4d: {  	[spmem:s29] =	stream.linear.scatter [tilespmem:s10], [sflag:$0x2], $0x1000, $0x38;
	[tilespmem:$0x1DC00] =	vst v63  }
0x4e: {  	_ =	swait.ge [sflag:s3], $0x1000  }
0x4f: {  	[sflag:s3] =	ssyncset.done $0x0  }
0x50: {  	[sflag:s3] =	ssyncadd.s32 $0xFFFFF000  }
0x51: {  	[spmem:s30] =	stream.linear.scatter [tilespmem:s10], [sflag:$0x2], $0x1000, $0x38;
	[tilespmem:$0x1DC00] =	vst v63  }
0x52: {  	_ =	swait.ge [sflag:s3], $0x1000  }
0x53: {  	[sflag:s3] =	ssyncset.done $0x0  }
0x54: {  	s1 =	rddreg [dreg:$0xd];
	[sflag:s3] =	ssyncadd.s32 $0xFFFFF000  }
0x55: {  	[spmem:s1] =	stream.linear.scatter [tilespmem:s10], [sflag:$0x2], $0x1000, $0x38;
	[tilespmem:$0x1DC00] =	vst v63  }
0x56: {  	_ =	swait.ge [sflag:s3], $0x1000  }
0x57: {  	[sflag:s3] =	ssyncset.done $0x0  }
0x58: {  	s8 =	rddreg [dreg:$0xe];
	[sflag:s3] =	ssyncadd.s32 $0xFFFFF000  }
0x59: {  	[spmem:s8] =	stream.linear.scatter [tilespmem:s10], [sflag:$0x2], $0x1000, $0x38;
	[tilespmem:$0x1DC00] =	vst v63  }
0x5a: {  	_ =	swait.ge [sflag:s3], $0x1000  }
0x5b: {  	[sflag:s3] =	ssyncset.done $0x0  }
0x5c: {  	s12 =	rddreg [dreg:$0xf];
	[sflag:s3] =	ssyncadd.s32 $0xFFFFF000  }
0x5d: {  	[spmem:s12] =	stream.linear.scatter [tilespmem:s10], [sflag:$0x2], $0x1000, $0x38;
	[tilespmem:$0x1DC00] =	vst v63  }
0x5e: {  	_ =	swait.ge [sflag:s3], $0x1000  }
0x5f: {  	[sflag:s3] =	ssyncset.done $0x0  }
0x60: {  	s13 =	rddreg [dreg:$0x10];
	[sflag:s3] =	ssyncadd.s32 $0xFFFFF000  }
0x61: {  	[spmem:s13] =	stream.linear.scatter [tilespmem:s10], [sflag:$0x2], $0x1000, $0x38;
	[tilespmem:$0x1DC00] =	vst v63  }
0x62: {  	_ =	swait.ge [sflag:s3], $0x1000  }
0x63: {  	[sflag:s3] =	ssyncset.done $0x0  }
0x64: {  	s25 =	rddreg [dreg:$0x11];
	[sflag:s3] =	ssyncadd.s32 $0xFFFFF000  }
0x65: {  	[spmem:s25] =	stream.linear.scatter [tilespmem:s10], [sflag:$0x2], $0x1000, $0x38;
	[tilespmem:$0x1DC00] =	vst v63  }
0x66: {  	_ =	swait.ge [sflag:s3], $0x1000  }
0x67: {  	[sflag:s3] =	ssyncset.done $0x0  }
0x68: {  	s26 =	rddreg [dreg:$0x12];
	[sflag:s3] =	ssyncadd.s32 $0xFFFFF000  }
0x69: {  	[spmem:s26] =	stream.linear.scatter [tilespmem:s10], [sflag:$0x2], $0x1000, $0x38;
	[tilespmem:$0x1DC00] =	vst v63  }
0x6a: {  	_ =	swait.ge [sflag:s3], $0x1000  }
0x6b: {  	[sflag:s3] =	ssyncset.done $0x0  }
0x6c: {  	s31 =	rddreg [dreg:$0x13];
	[sflag:s3] =	ssyncadd.s32 $0xFFFFF000  }
0x6d: {  	[spmem:s31] =	stream.linear.scatter [tilespmem:s10], [sflag:$0x2], $0x1000, $0x38;
	[tilespmem:$0x1DC00] =	vst v63  }
0x6e: {  	_ =	swait.ge [sflag:s3], $0x1000  }
0x6f: {  	[sflag:s3] =	ssyncset.done $0x0  }
0x70: {  	s8 =	rddreg [dreg:$0x14];
	[sflag:s3] =	ssyncadd.s32 $0xFFFFF000  }
0x71: {  	[spmem:s8] =	stream.linear.scatter [tilespmem:s10], [sflag:$0x2], $0x1000, $0x38;
	[tilespmem:$0x1DC00] =	vst v63  }
0x72: {  	_ =	swait.ge [sflag:s3], $0x1000  }
0x73: {  	[sflag:s3] =	ssyncset.done $0x0  }
0x74: {  	s12 =	rddreg [dreg:$0x15];
	[sflag:s3] =	ssyncadd.s32 $0xFFFFF000  }
0x75: {  	[spmem:s12] =	stream.linear.scatter [tilespmem:s10], [sflag:$0x2], $0x1000, $0x38;
	[tilespmem:$0x1DC00] =	vst v63  }
0x76: {  	_ =	swait.ge [sflag:s3], $0x1000  }
0x77: {  	[sflag:s3] =	ssyncset.done $0x0  }
0x78: {  	s13 =	rddreg [dreg:$0x16];
	[sflag:s3] =	ssyncadd.s32 $0xFFFFF000  }
0x79: {  	[spmem:s13] =	stream.linear.scatter [tilespmem:s10], [sflag:$0x2], $0x1000, $0x38;
	[tilespmem:$0x1DC00] =	vst v63  }
0x7a: {  	_ =	swait.ge [sflag:s3], $0x1000  }
0x7b: {  	[sflag:s3] =	ssyncset.done $0x0  }
0x7c: {  	s25 =	rddreg [dreg:$0x17];
	[sflag:s3] =	ssyncadd.s32 $0xFFFFF000  }
0x7d: {  	[spmem:s25] =	stream.linear.scatter [tilespmem:s10], [sflag:$0x2], $0x1000, $0x38;
	[tilespmem:$0x1DC00] =	vst v63  }
0x7e: {  	_ =	swait.ge [sflag:s3], $0x1000  }
0x7f: {  	[sflag:s3] =	ssyncset.done $0x0  }
0x80: {  	s26 =	rddreg [dreg:$0x18];
	[sflag:s3] =	ssyncadd.s32 $0xFFFFF000  }
0x81: {  	[spmem:s26] =	stream.linear.scatter [tilespmem:s10], [sflag:$0x2], $0x1000, $0x38;
	[tilespmem:$0x1DC00] =	vst v63  }
0x82: {  	_ =	swait.ge [sflag:s3], $0x1000  }
0x83: {  	[sflag:s3] =	ssyncset.done $0x0  }
0x84: {  	s31 =	rddreg [dreg:$0x19];
	[sflag:s3] =	ssyncadd.s32 $0xFFFFF000  }
0x85: {  	[spmem:s31] =	stream.linear.scatter [tilespmem:s10], [sflag:$0x2], $0x1000, $0x38;
	[tilespmem:$0x1DC00] =	vst v63  }
0x86: {  	_ =	swait.ge [sflag:s3], $0x1000  }
0x87: {  	[sflag:s3] =	ssyncset.done $0x0  }
0x88: {  	s8 =	rddreg [dreg:$0x1a];
	[sflag:s3] =	ssyncadd.s32 $0xFFFFF000  }
0x89: {  	[spmem:s8] =	stream.linear.scatter [tilespmem:s10], [sflag:$0x2], $0x1000, $0x38;
	[tilespmem:$0x1DC00] =	vst v63  }
0x8a: {  	_ =	swait.ge [sflag:s3], $0x1000  }
0x8b: {  	[sflag:s3] =	ssyncset.done $0x0  }
0x8c: {  	s12 =	rddreg [dreg:$0x1b];
	[sflag:s3] =	ssyncadd.s32 $0xFFFFF000  }
0x8d: {  	[spmem:s12] =	stream.linear.scatter [tilespmem:s10], [sflag:$0x2], $0x1000, $0x38;
	[tilespmem:$0x1DC00] =	vst v63  }
0x8e: {  	_ =	swait.ge [sflag:s3], $0x1000  }
0x8f: {  	[sflag:s3] =	ssyncset.done $0x0  }
0x90: {  	s13 =	rddreg [dreg:$0x1c];
	[sflag:s3] =	ssyncadd.s32 $0xFFFFF000  }
0x91: {  	[spmem:s13] =	stream.linear.scatter [tilespmem:s10], [sflag:$0x2], $0x1000, $0x38;
	[tilespmem:$0x1DC00] =	vst v63  }
0x92: {  	_ =	swait.ge [sflag:s3], $0x1000  }
0x93: {  	[sflag:s3] =	ssyncset.done $0x0  }
0x94: {  	s25 =	rddreg [dreg:$0x1d];
	[sflag:s3] =	ssyncadd.s32 $0xFFFFF000  }
0x95: {  	[spmem:s25] =	stream.linear.scatter [tilespmem:s10], [sflag:$0x2], $0x1000, $0x38;
	[tilespmem:$0x1DC00] =	vst v63  }
0x96: {  	_ =	swait.ge [sflag:s3], $0x1000  }
0x97: {  	[sflag:s3] =	ssyncset.done $0x0  }
0x98: {  	s26 =	rddreg [dreg:$0x1e];
	[sflag:s3] =	ssyncadd.s32 $0xFFFFF000  }
0x99: {  	[spmem:s26] =	stream.linear.scatter [tilespmem:s10], [sflag:$0x2], $0x1000, $0x38;
	[tilespmem:$0x1DC00] =	vst v63  }
0x9a: {  	_ =	swait.ge [sflag:s3], $0x1000  }
0x9b: {  	[sflag:s3] =	ssyncset.done $0x0  }
0x9c: {  	[sflag:s3] =	ssyncadd.s32 $0xFFFFF000  }
0x9d: {  	[bflag:$0x0] =	sbarrier.arrive $0xFFFF  }
0x9e: {  	s31 =	sshll.u32 s24, $0x1;
	s8 =	rddreg [dreg:$0x8]  }
0x9f: {  	v7 =	vld [tilespmem:s23+$0x0];
	s1 =	sor.u32 s8, s31  }
0xa0: {  	s25 =	smul.u32 $0x1400, s1;
	_ =	sdelay $0x1  }
0xa1: {  	s1 =	sadd.s32 $0x1400, s25  }
0xa2: {  	v5 =	vmov s25;
	v6 =	vmov s1  }
0xa3: {  	vm0 =	vge.s32 v7, v5;
	vm1 =	vlt.s32 v7, v6  }
0xa4: {  	vm0 =	vmand vm0, vm1  }
0xa5: {  	v7 =	vor.u32 s23, v1;
	v8 =	vsel vm0, v3, v2;
	v9 =	vmpcnt.ones.xlane vm0  }
0xa6: {  	(xrf1) =	vsort.ascd.msk.u32 $0xffff, v8, v7  }
0xa7: {  	(v2sf) =	vpush v9, $0x0;
	_ =	sdelay $0xc  }
0xa8: {  	_, v7, _ =	vpop (xrf1)  }
0xa9: {  	s12 =	simm.s32 $0x20;
	s8 =	simm.s32 $0x10;
	[tilespmem:s23+$0x3100] =	vst v7  }
0xaa: {  	s13 =	simm.s32 $0x10;
	s1 =	simm.s32 $0x0;
	v7 =	vld [tilespmem:s8+$0x0];
	s26 =	spop (v2sf)  }
.LBB2_5:
0xab: {  	p0 =	sne.s32 s12, $0x1870  }
0xac: {  	s1 =	sadd.s32 s1, s26;
	s26 =	smov.u32 s12;
	s12 =	sadd.s32 $0x10, s12  }
0xad: {  	_ =	sdelay $0x2  }
0xae: {  	vm0 =	vge.s32 v7, v5;
	vm1 =	vlt.s32 v7, v6  }
0xaf: {  	vm0 =	vmand vm0, vm1  }
0xb0: {  	v7 =	vor.u32 s8, v1;
	s8 =	smov.u32 s26;
	v8 =	vsel vm0, v3, v2;
	v9 =	vmpcnt.ones.xlane vm0  }
0xb1: {  	(xrf1) =	vsort.ascd.msk.u32 $0xffff, v8, v7  }
0xb2: {  	(v2sf) =	vpush v9, $0x0;
	_ =	sdelay $0xa  }
.Ltmp5:
0xb3: {  	(pc) =	sbr.rel @p0 .LBB2_5-.Ltmp5, $4  }
0xb4: {  	_ = 	snop  }
0xb5: {  	_, v7, _ =	vpop (xrf1)  }
0xb6: {  	s13 =	sadd.s32 $0x10, s13;
	[tilespmem:s1+$0x3100] =	vst v7  }
0xb7: {  	v7 =	vld [tilespmem:s13+$0x0];
	s26 =	spop (v2sf)  }
0xb8: {  	_ =	sdelay $0x3  }
0xb9: {  	vm0 =	vge.s32 v7, v5;
	vm1 =	vlt.s32 v7, v6  }
0xba: {  	vm0 =	vmand vm0, vm1  }
0xbb: {  	v6 =	vmpcnt.ones.xlane vm0;
	_ =	sdelay $0x1  }
0xbc: {  	(v2sf) =	vpush v6, $0x0;
	_ =	sdelay $0xa  }
0xbd: {  	v7 =	vsel vm0, v3, v2;
	v6 =	vor.u32 s8, v1  }
0xbe: {  	(xrf1) =	vsort.ascd.msk.u32 $0xffff, v7, v6;
	_ =	sdelay $0x2  }
0xbf: {  	s1 =	sadd.s32 s1, s26;
	s13 =	spop (v2sf)  }
0xc0: {  	s8 =	sadd.s32 s1, s13  }
0xc1: {  	s12 =	sadd.s32 $0x1F, s8  }
0xc2: {  	s26 =	sand.u32 $0x1F, s12  }
0xc3: {  	p1 =	slt.s32 s12, $0x1;
	p0 =	sne.s32 s26, $0x0;
	s26 =	sshra.s32 s12, $0x1F  }
0xc4: {  	s13 =	sadd.s32 $0x10, s8;
	v6 =	vadd.s32 s8, v1;
	s8 =	sshrl.u32 s26, $0x1B;
	p0 =	por !p1, !p0  }
0xc5: {  	s8 =	sadd.s32 s8, s12;
	p0 =	por !p0, !p0;
	s12 =	simm.s32 $0x1  }
0xc6: {  	s8 =	sshra.s32 s8, $0x5;
	s12 =	simm.s32 @!p0 $0x0  }
0xc7: {  	s26 =	ssub.s32 s8, s12  }
0xc8: {  	v7 =	vadd.s32 s13, v1;
	p0 =	slt.s32 s26, $0x1  }
.Ltmp6:
0xc9: {  	_ = 	snop;
	(pc) =	sbr.rel @p0 .LBB2_10-.Ltmp6, $4  }
0xca: {  	_, v8, _ =	vpop (xrf1)  }
0xcb: {  	[tilespmem:s1+$0x3100] =	vst v8  }
0xcc: {  	[tilespmem:v6+s11+$0x0] =	vst.idx.msk $0xffff, v4  }
0xcd: {  	s31 =	simm.s32 $0x0;
	[tilespmem:v7+s11+$0x0] =	vst.idx.msk $0xffff, v4  }
.LBB2_7:
0xce: {  	s1 =	sshll.u32 s31, $0x7  }
0xcf: {  	s1 =	sshra.s32 s1, $0x2  }
0xd0: {  	v6 =	vld [tilespmem:s1+$0x3100];
	_ =	sdelay $0x7  }
0xd1: {  	v7 =	vld.idx.msk [tilespmem:v6+s28+$0x0], $0xffff;
	_ =	sdelay $0x1  }
0xd2: {  	v6 =	vld.idx.msk [tilespmem:v6+s9+$0x0], $0xffff;
	_ =	sdelay $0x2  }
0xd3: {  	v8 =	vsub.s32 v7, v5  }
0xd4: {  	vm0 =	vlt.s32 v7, $0x1869F;
	vm1 =	vgt.s32 v8, $0x0  }
0xd5: {  	[tilespmem:$0x4A00] =	vst v6;
	v6 =	vnsel vm0, $0x1869F, v7;
	v7 =	vnsel vm1, $0x0, v8  }
0xd6: {  	[tilespmem:$0x4A80] =	vst v6;
	v6 =	vmin.u32 v7, $0x1400  }
0xd7: {  	[tilespmem:$0x4B00] =	vst v6  }
0xd8: {  	v6 =	vld [tilespmem:s1+$0x3110];
	_ =	sdelay $0x7  }
0xd9: {  	v7 =	vld.idx.msk [tilespmem:v6+s28+$0x0], $0xffff;
	_ =	sdelay $0x1  }
0xda: {  	v6 =	vld.idx.msk [tilespmem:v6+s9+$0x0], $0xffff;
	_ =	sdelay $0x2  }
0xdb: {  	v8 =	vsub.s32 v7, v5  }
0xdc: {  	vm14 =	vlt.s32 v7, $0x1869F;
	vm15 =	vgt.s32 v8, $0x0  }
0xdd: {  	[tilespmem:$0x4A10] =	vst v6;
	v7 =	vnsel vm14, $0x1869F, v7;
	v6 =	vnsel vm15, $0x0, v8  }
0xde: {  	[tilespmem:$0x4A90] =	vst v7;
	v6 =	vmin.u32 v6, $0x1400  }
0xdf: {  	[tilespmem:$0x4B10] =	vst v6  }
0xe0: {  	[tilespmem:s17], [sflag:$0x1] =	stream.indirect.gather [hbm4b:s0+s15], $0x80, s16, s15, $0xb8;
	[tilespmem:$0x1DC00] =	vst v63  }
0xe1: {  	_ = 	snop  }
0xe2: {  	[tilespmem:s18], [sflag:$0x1] =	stream.indirect.gather [hbm4b:s2+s15], $0x80, s16, s15, $0xb8;
	[tilespmem:$0x1DC00] =	vst v63  }
0xe3: {  	_ = 	snop  }
0xe4: {  	[tilespmem:s19], [sflag:$0x1] =	stream.indirect.gather [hbm4b:s5+s15], $0x80, s16, s15, $0xb8;
	[tilespmem:$0x1DC00] =	vst v63  }
0xe5: {  	_ = 	snop  }
0xe6: {  	[tilespmem:s21], [sflag:$0x1] =	stream.indirect.gather [hbm4b:s4+s15], $0x80, s20, s15, $0xb8;
	[tilespmem:$0x1DC00] =	vst v63  }
0xe7: {  	_ =	swait.ge [sflag:s14], $0x1000  }
0xe8: {  	[sflag:s14] =	ssyncset.done $0x0  }
0xe9: {  	[sflag:s14] =	ssyncadd.s32 $0xFFFFF000  }
0xea: {  	_ =	swait.ge [sflag:s14], $0x1000  }
0xeb: {  	[sflag:s14] =	ssyncset.done $0x0  }
0xec: {  	[sflag:s14] =	ssyncadd.s32 $0xFFFFF000  }
0xed: {  	_ =	swait.ge [sflag:s14], $0x1000  }
0xee: {  	[sflag:s14] =	ssyncset.done $0x0  }
0xef: {  	[sflag:s14] =	ssyncadd.s32 $0xFFFFF000  }
0xf0: {  	_ =	swait.ge [sflag:s14], $0x1000  }
0xf1: {  	[sflag:s14] =	ssyncset.done $0x0  }
0xf2: {  	s1 =	simm.s32 $0x0;
	[sflag:s14] =	ssyncadd.s32 $0xFFFFF000  }
0xf3: {  	v7 =	vld [tilespmem:s1+$0x7BA0]  }
0xf4: {  	v8 =	vld [tilespmem:s1+$0x6BA0]  }
0xf5: {  	v9 =	vld [tilespmem:s1+$0x6BE0]  }
0xf6: {  	v10 =	vld [tilespmem:s1+$0x6B90]  }
0xf7: {  	v11 =	vld [tilespmem:s1+$0x7BB0]  }
0xf8: {  	v12 =	vld [tilespmem:s1+$0x6BB0]  }
0xf9: {  	v13 =	vld [tilespmem:s1+$0x7BC0]  }
0xfa: {  	v14 =	vld [tilespmem:s1+$0x6BD0];
	v7 =	vadd.f32 v8, v7  }
0xfb: {  	v8 =	vld [tilespmem:s1+$0x7BD0]  }
0xfc: {  	v16 =	vld [tilespmem:s1+$0x6BC0];
	v7 =	vsub.f32 $0.0e+00, v7  }
0xfd: {  	v15 =	vld [tilespmem:s1+$0x7BE0];
	v11 =	vadd.f32 v12, v11  }
0xfe: {  	v12 =	vld [tilespmem:s1+$0x7B90];
	v7 =	vmul.f32 $1.442695020e+00, v7  }
0xff: {  	v6 =	vld [tilespmem:s1+$0x6B80];
	v11 =	vsub.f32 $0.0e+00, v11  }
0x100: {  	v17 =	vld [tilespmem:s1+$0x7B80];
	(erf) = vpow2.f32 v7;
	v7 =	vadd.f32 v14, v8  }
0x101: {  	v13 =	vadd.f32 v16, v13;
	v8 =	vmul.f32 $1.442695020e+00, v11  }
0x102: {  	v9 =	vadd.f32 v9, v15;
	v7 =	vsub.f32 $0.0e+00, v7  }
0x103: {  	(erf) = vpow2.f32 v8;
	v8 =	vadd.f32 v10, v12;
	v10 =	vsub.f32 $0.0e+00, v13  }
0x104: {  	v9 =	vsub.f32 $0.0e+00, v9  }
0x105: {  	v6 =	vadd.f32 v6, v17;
	v7 =	vmul.f32 $1.442695020e+00, v7;
	v10 =	vmul.f32 $1.442695020e+00, v10  }
0x106: {  	v9 =	vmul.f32 $1.442695020e+00, v9;
	v11 =	vld [tilespmem:s1+$0x6BF0];
	v8 =	vsub.f32 $0.0e+00, v8  }
0x107: {  	s12 =	simm.s32 $0x80;
	v6 =	vsub.f32 $0.0e+00, v6;
	v14 =	vld [tilespmem:s1+$0x7BF0];
	(erf) = vpow2.f32 v7  }
0x108: {  	v18 =	vld [tilespmem:s12+$0x7BC0];
	v8 =	vmul.f32 $1.442695020e+00, v8;
	(erf) = vpow2.f32 v9  }
0x109: {  	v19 =	vld [tilespmem:s12+$0x6BC0];
	v6 =	vmul.f32 $1.442695020e+00, v6;
	(erf) = vpow2.f32 v10;
	v10 =	vpop (erf)  }
0x10a: {  	v21 =	vld [tilespmem:s12+$0x7BD0];
	(erf) = vpow2.f32 v8;
	v8 =	vadd.f32 $1.000000000e+00, v10  }
0x10b: {  	v23 =	vld [tilespmem:s12+$0x6BD0];
	(erf) = vpow2.f32 v6  }
0x10c: {  	v15 =	vld [tilespmem:s12+$0x6BB0];
	(erf) = vrcp.f32 v8;
	v8 =	vadd.f32 v11, v14;
	v11 =	vpop (erf)  }
0x10d: {  	v6 =	vld [tilespmem:s12+$0x7BA0];
	v11 =	vadd.f32 $1.000000000e+00, v11  }
0x10e: {  	v10 =	vld [tilespmem:s12+$0x6BA0]  }
0x10f: {  	v14 =	vld [tilespmem:s12+$0x7BB0];
	v8 =	vsub.f32 $0.0e+00, v8  }
0x110: {  	v24 =	vld [tilespmem:s12+$0x7BE0]  }
0x111: {  	v25 =	vld [tilespmem:s12+$0x7B80];
	(erf) = vrcp.f32 v11;
	v8 =	vmul.f32 $1.442695020e+00, v8;
	v11 =	vpop (erf)  }
0x112: {  	v16 =	vld [tilespmem:s12+$0x6BF0];
	v20 =	vpop (erf);
	v11 =	vadd.f32 $1.000000000e+00, v11  }
0x113: {  	v17 =	vld [tilespmem:s12+$0x6B90];
	v6 =	vadd.f32 v10, v6;
	(erf) = vpow2.f32 v8;
	v8 =	vadd.f32 $1.000000000e+00, v20  }
0x114: {  	v13 =	vld [tilespmem:s1+$0x5BA0];
	v10 =	vadd.f32 v15, v14;
	v22 =	vpop (erf)  }
0x115: {  	v9 =	vld [tilespmem:s12+$0x6BE0];
	v6 =	vsub.f32 $0.0e+00, v6;
	v20 =	vpop (erf);
	v22 =	vadd.f32 $1.000000000e+00, v22;
	(erf) = vrcp.f32 v11  }
0x116: {  	v12 =	vld [tilespmem:s1+$0x5BB0];
	v10 =	vsub.f32 $0.0e+00, v10;
	v15 =	vadd.f32 $1.000000000e+00, v20;
	v11 =	vpop (erf);
	(erf) = vrcp.f32 v8  }
0x117: {  	v18 =	vadd.f32 v19, v18;
	v14 =	vld [tilespmem:s12+$0x7B90];
	v8 =	vpop (erf);
	(erf) = vrcp.f32 v22  }
0x118: {  	v7 =	vld [tilespmem:s12+$0x6B80];
	v6 =	vmul.f32 $1.442695020e+00, v6;
	v11 =	vadd.f32 $1.000000000e+00, v11;
	(erf) = vrcp.f32 v15  }
0x119: {  	v18 =	vsub.f32 $0.0e+00, v18;
	v20 =	vld [tilespmem:s12+$0x7BF0];
	v13 =	vmul.f32 v8, v13  }
0x11a: {  	v19 =	vmul.f32 $1.442695020e+00, v10;
	v22 =	vadd.f32 v9, v24;
	v9 =	vld [tilespmem:s1+$0x5B90];
	v10 =	vpop (erf);
	(erf) = vpow2.f32 v6  }
0x11b: {  	v12 =	vmul.f32 v10, v12;
	[tilespmem:s1+$0x5BA0] =	vst v13;
	v13 =	vadd.f32 v23, v21;
	v21 =	vld [tilespmem:s1+$0x5BD0];
	(erf) = vrcp.f32 v11  }
0x11c: {  	v10 =	vld [tilespmem:s1+$0x5BC0];
	v22 =	vsub.f32 $0.0e+00, v22;
	v11 =	vpop (erf);
	(erf) = vpow2.f32 v19;
	v19 =	vadd.f32 v17, v14  }
0x11d: {  	v8 =	vld [tilespmem:s1+$0x5B80];
	v15 =	vadd.f32 v7, v25;
	[tilespmem:s1+$0x5BB0] =	vst v12;
	v7 =	vsub.f32 $0.0e+00, v13  }
0x11e: {  	v17 =	vmul.f32 $1.442695020e+00, v22;
	v6 =	vld [tilespmem:s12+$0x5BB0];
	v23 =	vadd.f32 $1.000000000e+00, v11;
	v63 =	vpop (erf)  }
0x11f: {  	v14 =	vadd.f32 v16, v20;
	v13 =	vmul.f32 $1.442695020e+00, v18;
	v11 =	vld [tilespmem:s1+$0x5BE0];
	v18 =	vmul.f32 $1.442695020e+00, v7;
	v12 =	vpop (erf)  }
0x120: {  	s13 =	simm.s32 $0x400;
	v20 =	vsub.f32 $0.0e+00, v19;
	v7 =	vld [tilespmem:s12+$0x5BA0];
	(erf) = vrcp.f32 v23;
	v16 =	vmul.f32 v63, v21;
	v19 =	vpop (erf)  }
.LBB2_8:
0x121: {  	s8 =	sshra.s32 s13, $0x2;
	p0 =	sne.s32 s13, $0x3E00;
	s13 =	sadd.s32 $0x200, s13;
	v15 =	vsub.f32 $0.0e+00, v15;
	(erf) = vpow2.f32 v18;
	v10 =	vmul.f32 v19, v10;
	v18 =	vld [tilespmem:s1+$0x5BF0];
	v19 =	vpop (erf)  }
0x122: {  	v21 =	vld [tilespmem:s8+$0x6B80];
	v20 =	vmul.f32 $1.442695020e+00, v20;
	(erf) = vpow2.f32 v17;
	[tilespmem:s1+$0x5BD0] =	vst v16  }
0x123: {  	v16 =	vld [tilespmem:s8+$0x6BF0];
	v15 =	vmul.f32 $1.442695020e+00, v15;
	(erf) = vpow2.f32 v13;
	[tilespmem:s1+$0x5BC0] =	vst v10  }
0x124: {  	v9 =	vmul.f32 v19, v9;
	v10 =	vld [tilespmem:s8+$0x6BE0];
	(erf) = vpow2.f32 v20;
	v13 =	vpop (erf)  }
0x125: {  	v11 =	vmul.f32 v12, v11;
	v17 =	vld [tilespmem:s8+$0x6B90];
	v13 =	vadd.f32 $1.000000000e+00, v13;
	(erf) = vpow2.f32 v15;
	v12 =	vpop (erf)  }
0x126: {  	v14 =	vsub.f32 $0.0e+00, v14;
	v15 =	vld [tilespmem:s8+$0x7BA0];
	v19 =	vpop (erf);
	v8 =	vmul.f32 v12, v8;
	[tilespmem:s1+$0x5B90] =	vst v9  }
0x127: {  	v9 =	vld [tilespmem:s8+$0x6BA0];
	v20 =	vadd.f32 $1.000000000e+00, v19;
	(erf) = vrcp.f32 v13;
	[tilespmem:s1+$0x5BE0] =	vst v11  }
0x128: {  	v11 =	vld [tilespmem:s8+$0x7BB0];
	[tilespmem:s1+$0x5B80] =	vst v8  }
0x129: {  	v13 =	vmul.f32 $1.442695020e+00, v14;
	v8 =	vld [tilespmem:s8+$0x6BB0];
	(erf) = vrcp.f32 v20;
	v12 =	vpop (erf)  }
0x12a: {  	v14 =	vld [tilespmem:s8+$0x7BC0];
	v19 =	vpop (erf);
	v12 =	vmul.f32 v12, v18  }
0x12b: {  	v18 =	vld [tilespmem:s8+$0x6BC0];
	v19 =	vadd.f32 $1.000000000e+00, v19;
	v20 =	vpop (erf);
	(erf) = vpow2.f32 v13  }
0x12c: {  	v9 =	vadd.f32 v9, v15;
	v13 =	vld [tilespmem:s8+$0x7BD0];
	v15 =	vadd.f32 $1.000000000e+00, v20;
	v20 =	vpop (erf);
	[tilespmem:s1+$0x5BF0] =	vst v12;
	s1 =	smov.u32 s12;
	s12 =	smov.u32 s8  }
0x12d: {  	v12 =	vld [tilespmem:s12+$0x6BD0];
	v20 =	vadd.f32 $1.000000000e+00, v20;
	v22 =	vpop (erf);
	(erf) = vrcp.f32 v19  }
0x12e: {  	v8 =	vadd.f32 v8, v11;
	v11 =	vld [tilespmem:s12+$0x7BE0];
	v19 =	vadd.f32 $1.000000000e+00, v22;
	v22 =	vpop (erf);
	(erf) = vrcp.f32 v15  }
0x12f: {  	v9 =	vsub.f32 $0.0e+00, v9;
	v15 =	vld [tilespmem:s12+$0x7B80];
	v22 =	vadd.f32 $1.000000000e+00, v22;
	(erf) = vrcp.f32 v20  }
0x130: {  	v20 =	vld [tilespmem:s12+$0x7B90];
	v8 =	vsub.f32 $0.0e+00, v8;
	v14 =	vadd.f32 v18, v14;
	(erf) = vrcp.f32 v19;
	v18 =	vpop (erf)  }
0x131: {  	v9 =	vmul.f32 $1.442695020e+00, v9;
	v19 =	vld [tilespmem:s12+$0x7BF0];
	v7 =	vmul.f32 v18, v7  }
0x132: {  	v18 =	vmul.f32 $1.442695020e+00, v8;
	v14 =	vsub.f32 $0.0e+00, v14;
	v24 =	vadd.f32 v12, v13;
	v8 =	vld [tilespmem:s1+$0x5B80];
	v13 =	vpop (erf)  }
0x133: {  	v11 =	vadd.f32 v10, v11;
	(erf) = vpow2.f32 v9;
	[tilespmem:s1+$0x5BA0] =	vst v7;
	v6 =	vmul.f32 v13, v6;
	v23 =	vld [tilespmem:s1+$0x5BD0]  }
.Ltmp7:
0x134: {  	v15 =	vadd.f32 v21, v15;
	v7 =	vsub.f32 $0.0e+00, v24;
	v10 =	vld [tilespmem:s1+$0x5BC0];
	(erf) = vrcp.f32 v22;
	v12 =	vpop (erf);
	(pc) =	sbr.rel @p0 .LBB2_8-.Ltmp7, $4  }
0x135: {  	v13 =	vmul.f32 $1.442695020e+00, v14;
	v11 =	vsub.f32 $0.0e+00, v11;
	(erf) = vpow2.f32 v18;
	v9 =	vld [tilespmem:s1+$0x5B90];
	[tilespmem:s1+$0x5BB0] =	vst v6  }
0x136: {  	v20 =	vadd.f32 v17, v20;
	v21 =	vadd.f32 $1.000000000e+00, v12;
	v6 =	vld [tilespmem:s12+$0x5BB0];
	v18 =	vmul.f32 $1.442695020e+00, v7;
	v22 =	vpop (erf)  }
0x137: {  	v14 =	vadd.f32 v16, v19;
	v17 =	vmul.f32 $1.442695020e+00, v11;
	v11 =	vld [tilespmem:s1+$0x5BE0];
	v12 =	vpop (erf)  }
0x138: {  	v20 =	vsub.f32 $0.0e+00, v20;
	v7 =	vld [tilespmem:s12+$0x5BA0];
	v16 =	vmul.f32 v22, v23;
	v19 =	vpop (erf);
	(erf) = vrcp.f32 v21  }
0x139: {  	_ = 	snop  }
0x13a: {  	(erf) = vpow2.f32 v18  }
0x13b: {  	v15 =	vsub.f32 $0.0e+00, v15;
	v34 =	vpop (erf);
	v20 =	vmul.f32 $1.442695020e+00, v20;
	(erf) = vpow2.f32 v17  }
0x13c: {  	v35 =	vpop (erf);
	(erf) = vpow2.f32 v13  }
0x13d: {  	v15 =	vmul.f32 $1.442695020e+00, v15;
	v36 =	vpop (erf);
	(erf) = vpow2.f32 v20  }
0x13e: {  	v14 =	vsub.f32 $0.0e+00, v14;
	v17 =	vadd.f32 $1.000000000e+00, v35;
	v37 =	vpop (erf)  }
0x13f: {  	(erf) = vpow2.f32 v15;
	v38 =	vadd.f32 $1.000000000e+00, v37  }
0x140: {  	v14 =	vmul.f32 $1.442695020e+00, v14;
	(erf) = vrcp.f32 v17  }
0x141: {  	(erf) = vrcp.f32 v38  }
0x142: {  	v39 =	vpop (erf);
	(erf) = vpow2.f32 v14  }
0x143: {  	v41 =	vpop (erf)  }
0x144: {  	v40 =	vld [tilespmem:s1+$0x5BF0];
	v42 =	vpop (erf);
	v44 =	vadd.f32 $1.000000000e+00, v41  }
0x145: {  	v10 =	vmul.f32 v19, v10;
	v9 =	vmul.f32 v34, v9;
	v46 =	vadd.f32 $1.000000000e+00, v42;
	v45 =	vpop (erf)  }
0x146: {  	[tilespmem:s1+$0x5BD0] =	vst v16;
	v43 =	vmul.f32 v12, v11;
	(erf) = vrcp.f32 v44;
	v47 =	vpop (erf);
	v12 =	vadd.f32 $1.000000000e+00, v45  }
0x147: {  	[tilespmem:s1+$0x5BC0] =	vst v10;
	(erf) = vrcp.f32 v46;
	v50 =	vadd.f32 $1.000000000e+00, v47  }
0x148: {  	[tilespmem:s1+$0x5B90] =	vst v9;
	v8 =	vmul.f32 v36, v8;
	v49 =	vpop (erf);
	(erf) = vrcp.f32 v12  }
0x149: {  	[tilespmem:s1+$0x5BE0] =	vst v43;
	v48 =	vmul.f32 v39, v40;
	v51 =	vpop (erf);
	(erf) = vrcp.f32 v50  }
0x14a: {  	[tilespmem:s1+$0x5B80] =	vst v8;
	v7 =	vmul.f32 v51, v7;
	v52 =	vpop (erf)  }
0x14b: {  	[tilespmem:s1+$0x5BF0] =	vst v48;
	v53 =	vadd.f32 $1.000000000e+00, v49;
	v55 =	vpop (erf);
	v6 =	vmul.f32 v52, v6  }
0x14c: {  	v56 =	vld [tilespmem:s12+$0x5BD0];
	[tilespmem:s12+$0x5BA0] =	vst v7;
	v7 =	vadd.f32 $1.000000000e+00, v55  }
0x14d: {  	(erf) = vrcp.f32 v53  }
0x14e: {  	(erf) = vrcp.f32 v7;
	v7 =	vld [tilespmem:s12+$0x5B90]  }
0x14f: {  	v57 =	vld [tilespmem:s12+$0x5BC0];
	[tilespmem:s12+$0x5BB0] =	vst v6;
	v6 =	vpop (erf)  }
0x150: {  	v59 =	vpop (erf)  }
0x151: {  	v58 =	vld [tilespmem:s12+$0x5BE0];
	v6 =	vmul.f32 v6, v56;
	v60 =	vpop (erf)  }
0x152: {  	v54 =	vld [tilespmem:s12+$0x5B80];
	v62 =	vpop (erf)  }
0x153: {  	v61 =	vld [tilespmem:s12+$0x5BF0];
	[tilespmem:s12+$0x5BD0] =	vst v6;
	v6 =	vmul.f32 v62, v7  }
0x154: {  	v9 =	vmul.f32 v60, v57;
	_ =	sdelay $0x1  }
0x155: {  	v7 =	vmul.f32 v59, v58;
	v63 =	vpop (erf);
	[tilespmem:s12+$0x5BC0] =	vst v9  }
0x156: {  	v8 =	vmul.f32 v63, v54;
	[tilespmem:s12+$0x5B90] =	vst v6;
	v6 =	vpop (erf)  }
0x157: {  	[tilespmem:s12+$0x5BE0] =	vst v7;
	v6 =	vmul.f32 v6, v61  }
0x158: {  	[tilespmem:s12+$0x5B80] =	vst v8  }
0x159: {  	[tilespmem:s12+$0x5BF0] =	vst v6  }
0x15a: {  	[spmem:s6] =	stream.indirect.scatter.add.f32 [tilespmem:s18], [sflag:$0x2], $0x80, s22, s15, $0xb8;
	[tilespmem:$0x1DC00] =	vst v63  }
0x15b: {  	_ =	swait.ge [sflag:s3], $0x1000  }
0x15c: {  	s31 =	sadd.s32 $0x1, s31;
	[sflag:s3] =	ssyncset.done $0x0  }
0x15d: {  	p0 =	sne.s32 s31, s26;
	[sflag:s3] =	ssyncadd.s32 $0xFFFFF000  }
0x15e: {  	[spmem:s7] =	stream.indirect.scatter.add.f32 [tilespmem:s17], [sflag:$0x2], $0x80, s22, s15, $0xb8;
	[tilespmem:$0x1DC00] =	vst v63  }
.Ltmp8:
0x15f: {  	_ = 	snop;
	(pc) =	sbr.rel @p0 .LBB2_7-.Ltmp8, $4  }
.Ltmp9:
0x160: {  	_ = 	snop;
	(pc) =	sbr.rel @!p0 .LBB2_10-.Ltmp9, $4  }
0x161: {  	_ =	swait.ge [sflag:s3], $0x1000  }
0x162: {  	[sflag:s3] =	ssyncset.done $0x0  }
0x163: {  	[sflag:s3] =	ssyncadd.s32 $0xFFFFF000  }
0x164: {  	_ = 	snop  }
.LBB2_12:
0x165: {  	_ =	sfence.sel $0x180000  }
0x166: {  	[bflag:$0x0] =	sbarrier.arrive $0xFFFF  }
0x167: {  	_ =	strace $0x90000047  }
0x168: {  	s0 =	stileid.u32;
	[bflag:$0x2] =	sbarrier.arrive $0xFFFF  }
0x169: {  	p0 =	sne.s32 s0, $0x0;
	s0 =	rddreg [dreg:$0x7]  }
0x16a: {  	s0 =	sadd.s32 @!p0 $0x100000, s0  }
0x16b: {  	[sflag:s0] =	ssyncadd.tile.s32 @!p0 $0x1;
	_ =	shalt  }
.Lfunc_end2:
_tile_overlayer_lowered:
.L_overlay_start_2:
0x16c: {  	(tag) =	ssettag $0x2  }
0x16d: {  	s0 =	rddreg [dreg:$0x0];
	s2 =	stileid.u32  }
0x16e: {  	s1 =	rddreg [dreg:$0x1];
	p0 =	sne.s32 s2, $0x0  }
0x16f: {  	s3 =	rddreg [dreg:$0x2];
	[bflag:$0x3] =	sbarrier.arrive $0xFFFF;
	s2 =	simm.s32 @!p0 $0x1C02  }
0x170: {  	[timem:s3], [sflag:s2] =	dma.local @!p0 [hbm:s0], s1  }
0x171: {  	s0 =	simm.s32 @!p0 $0x2  }
0x172: {  	_ =	swait.ge @!p0 [sflag:s0], s1  }
0x173: {  	s1 =	ssub.s32 @!p0 $0x0, s1;
	[sflag:s0] =	ssyncset.done @!p0 $0x0  }
0x174: {  	[sflag:s0] =	ssyncadd.s32 @!p0 s1  }
0x175: {  	[bflag:$0x3] =	sbarrier.arrive $0xFFFF  }
0x176: {  	_ =	shalt  }

</sc_bundles>
